<compile_context>
chip_gen: v7x
topology: tpu7x:2x2x1
jax: 0.10.2.dev20260603
libtpu: 0.0.44.dev20260713+nightly
codegen_flags: <defaults>
</compile_context>

<pallas_src>
import functools

import jax
import jax.numpy as jnp
from jax import lax
from jax.experimental import pallas as pl
from jax.experimental.pallas import tpu as pltpu
from jax.experimental.pallas import tpu_sc as plsc

B, C, H, W = 4096, 64, 4, 4
D = C * H * W
COFF = 0
DM = D - COFF
MAX_ID = 60000
NC, NS, L = 2, 16, 16
NW = NC * NS
BPW = B // NW
CH = 16
NCHUNK = BPW // CH

_mesh = plsc.VectorSubcoreMesh(core_axis_name="c", subcore_axis_name="s")


@functools.partial(
    pl.kernel,
    mesh=_mesh,
    compiler_params=pltpu.CompilerParams(use_tc_tiling_on_sc=False),
    out_type=jax.ShapeDtypeStruct((B, D), jnp.float32),
    scratch_types=[
        pltpu.VMEM((BPW,), jnp.int32),
        pltpu.VMEM((CH, DM), jnp.float32),
        pltpu.VMEM((CH, DM), jnp.float32),
        pltpu.VMEM((CH, D), jnp.float32),
        pltpu.VMEM((CH, D), jnp.float32),
        pltpu.SemaphoreType.DMA,
        pltpu.SemaphoreType.DMA,
        pltpu.SemaphoreType.DMA,
        pltpu.SemaphoreType.DMA,
        pltpu.SemaphoreType.DMA,
        pltpu.SemaphoreType.DMA,
    ],
)
def _tied_dropout(x_hbm, idx_hbm, table_hbm, out_hbm,
                  idx_v, m0, m1, x0, x1,
                  gs0, gs1, xs0, xs1, os0, os1):
    mbuf = (m0, m1)
    xbuf = (x0, x1)
    gsem = (gs0, gs1)
    xsem = (xs0, xs1)
    osem = (os0, os1)
    wid = lax.axis_index("s") * NC + lax.axis_index("c")
    base = wid * BPW
    pltpu.sync_copy(idx_hbm.at[pl.ds(base, BPW)], idx_v)

    def start(k):
        b = k % 2
        return (
            pltpu.async_copy(
                table_hbm.at[idx_v.at[pl.ds(k * CH, CH)]], mbuf[b], gsem[b]),
            pltpu.async_copy(
                x_hbm.at[pl.ds(base + k * CH, CH)], xbuf[b], xsem[b]),
        )

    inflight = start(0)
    outflight = [None, None]
    for k in range(NCHUNK):
        b = k % 2
        nb = (k + 1) % 2
        if k + 1 < NCHUNK:
            if outflight[nb] is not None:
                outflight[nb].wait()
                outflight[nb] = None
            nxt = start(k + 1)
        gc, xc = inflight
        gc.wait()
        xc.wait()

        def row_body(r, _):
            def col_body(c, _):
                c0 = c * L
                xslc = x_v_cur[r, pl.ds(COFF + c0, L)]
                x_v_cur[r, pl.ds(COFF + c0, L)] = xslc * m_v_cur[r, pl.ds(c0, L)]
                return 0

            lax.fori_loop(0, DM // L, col_body, 0)
            return 0

        m_v_cur = mbuf[b]
        x_v_cur = xbuf[b]
        lax.fori_loop(0, CH, row_body, 0)
        outflight[b] = pltpu.async_copy(
            xbuf[b], out_hbm.at[pl.ds(base + k * CH, CH)], osem[b])
        if k + 1 < NCHUNK:
            inflight = nxt
    for b in range(2):
        if outflight[b] is not None:
            outflight[b].wait()


def kernel(X, idx, mask_tensor):
    table = mask_tensor.reshape(MAX_ID, D)
    x2 = X.reshape(B, D)
    out = _tied_dropout(x2, idx, table)
    return out.reshape(B, C, H, W)

# --- scband reference (transcript-rebuilt; emitter-appended) ---
"""Pipeline reference for scband-example-tied-dropout-48473000903475 (READ-ONLY COPY).

The authoritative reference and input builder live on the scoring server;
editing this copy changes nothing except your own understanding.
"""

import jax, jax.numpy as jnp
import numpy as np

MAX_ID = 60000
P_FIXED = 0.2
P_MEM = 0.1
B, C, H, W = 4096, 64, 4, 4


def setup_inputs(seed: int = 0) -> dict:
    key = jax.random.key(seed)
    k1, k2, k3 = jax.random.split(key, 3)
    X = jax.random.normal(k1, (B, C, H, W), dtype=jnp.float32)
    idx = jax.random.randint(k2, (B,), 0, MAX_ID, dtype=jnp.int32)
    # Steady-state: the tied dropout mask memory (mask_tensor) has been populated.
    # Per the module's construction: first int(p_fixed*C) channels are ones,
    # remaining channels are Bernoulli(p_mem) samples tied to each example id.
    n_fixed = int(P_FIXED * C)
    fixed_part = jnp.ones((MAX_ID, n_fixed, H, W), dtype=jnp.float32)
    mem_part = jax.random.bernoulli(k3, P_MEM, (MAX_ID, C - n_fixed, H, W)).astype(jnp.float32)
    mask_tensor = jnp.concatenate([fixed_part, mem_part], axis=1)
    return {"X": X, "idx": idx, "mask_tensor": mask_tensor}


def reference(X, idx, mask_tensor):
    # Training-mode forward with cached mask memory:
    #   mask = self.mask_tensor[idx]; X = X * mask
    mask = jnp.take(mask_tensor, idx, axis=0)
    return X * mask

if __name__ == "__main__":
    import jax
    _d = setup_inputs()
    print(jax.jit(kernel)(*tuple(_d.values())))

</pallas_src>

<mosaic_0001>
#map = affine_map<(d0, d1) -> (0, 0)>
#map1 = affine_map<(d0, d1) -> (0)>
module attributes {stable_mosaic.version = 14 : i64} {
  func.func @_tied_dropout(%arg0: i32, %arg1: i32, %arg2: memref<4096x1024xf32, #tpu.memory_space<hbm>>, %arg3: memref<4096xi32, #tpu.memory_space<hbm>>, %arg4: memref<60000x1024xf32, #tpu.memory_space<hbm>>, %arg5: memref<4096x1024xf32, #tpu.memory_space<hbm>>, %arg6: memref<128xi32, #tpu.memory_space<vmem>>, %arg7: memref<16x1024xf32, #tpu.memory_space<vmem>>, %arg8: memref<16x1024xf32, #tpu.memory_space<vmem>>, %arg9: memref<16x1024xf32, #tpu.memory_space<vmem>>, %arg10: memref<16x1024xf32, #tpu.memory_space<vmem>>, %arg11: memref<!tpu.dma_semaphore, #tpu.memory_space<semaphore_mem>>, %arg12: memref<!tpu.dma_semaphore, #tpu.memory_space<semaphore_mem>>, %arg13: memref<!tpu.dma_semaphore, #tpu.memory_space<semaphore_mem>>, %arg14: memref<!tpu.dma_semaphore, #tpu.memory_space<semaphore_mem>>, %arg15: memref<!tpu.dma_semaphore, #tpu.memory_space<semaphore_mem>>, %arg16: memref<!tpu.dma_semaphore, #tpu.memory_space<semaphore_mem>>) attributes {dimension_semantics = [#tpu.dimension_semantics<core_parallel>, #tpu.dimension_semantics<subcore_parallel>], iteration_bounds = array<i64: 2, 16>, scalar_prefetch = 0 : i64, scratch_operands = 11 : i64, tpu.core_type = #tpu.core_type<sc_vector_subcore>, window_params = [{transform_indices = #map}, {transform_indices = #map1}, {transform_indices = #map}, {transform_indices = #map}]} {
    %mul3A = arith.constant 2 : i32
    %mul3A_0 = arith.muli %arg1, %mul3A : i32
    %add3A = arith.addi %mul3A_0, %arg0 : i32
    %mul3A_1 = arith.constant 128 : i32
    %mul3A_2 = arith.muli %add3A, %mul3A_1 : i32
    "tpu.region"() ({
      %run_scoped3A = tpu.sem_alloc : memref<!tpu.dma_semaphore, #tpu.memory_space<semaphore_mem>>
      %dma_start3A_296 = tpu.memref_slice %arg3[%mul3A_2] : memref<4096xi32, #tpu.memory_space<hbm>> -> memref<128xi32, #tpu.memory_space<hbm>>
      %dma_start3A_297 = tpu.memref_slice %arg3[%mul3A_2] : memref<4096xi32, #tpu.memory_space<hbm>> -> memref<128xi32, #tpu.memory_space<hbm>>
      tpu.enqueue_dma source(%dma_start3A_297 : memref<128xi32, #tpu.memory_space<hbm>>) target(%arg6 : memref<128xi32, #tpu.memory_space<vmem>>) target_semaphore(%run_scoped3A : memref<!tpu.dma_semaphore, #tpu.memory_space<semaphore_mem>>)
      %dma_wait3A_298 = tpu.memref_slice %arg3[%mul3A_2] : memref<4096xi32, #tpu.memory_space<hbm>> -> memref<128xi32, #tpu.memory_space<hbm>>
      %dma_wait3A_299 = tpu.memref_slice %arg3[%mul3A_2] : memref<4096xi32, #tpu.memory_space<hbm>> -> memref<128xi32, #tpu.memory_space<hbm>>
      tpu.wait_dma2 semaphore(%run_scoped3A : memref<!tpu.dma_semaphore, #tpu.memory_space<semaphore_mem>>) src(%dma_wait3A_299 : memref<128xi32, #tpu.memory_space<hbm>>) dst(%arg6 : memref<128xi32, #tpu.memory_space<vmem>>)
      tpu.yield
    }) : () -> ()
    %dma_start3A = arith.constant 0 : i32
    %dma_start3A_3 = tpu.memref_slice %arg6[%dma_start3A] : memref<128xi32, #tpu.memory_space<vmem>> -> memref<16xi32, #tpu.memory_space<vmem>>
    %dma_start3A_4 = arith.constant 0 : i32
    %dma_start3A_5 = arith.constant 0 : i32
    %dma_start3A_6 = tpu.memref_slice %arg4[%dma_start3A_4, %dma_start3A_5] : memref<60000x1024xf32, #tpu.memory_space<hbm>> -> memref<60000x1024xf32, #tpu.memory_space<hbm>>
    tpu.enqueue_indirect_dma source(%dma_start3A_6 : memref<60000x1024xf32, #tpu.memory_space<hbm>>) target(%arg7 : memref<16x1024xf32, #tpu.memory_space<vmem>>) offsets(%dma_start3A_3 : memref<16xi32, #tpu.memory_space<vmem>>) semaphore(%arg11 : memref<!tpu.dma_semaphore, #tpu.memory_space<semaphore_mem>>)
    %add3A_7 = arith.constant 0 : i32
    %add3A_8 = arith.addi %mul3A_2, %add3A_7 : i32
    %dma_start3A_9 = arith.constant 0 : i32
    %dma_start3A_10 = tpu.memref_slice %arg2[%add3A_8, %dma_start3A_9] : memref<4096x1024xf32, #tpu.memory_space<hbm>> -> memref<16x1024xf32, #tpu.memory_space<hbm>>
    %dma_start3A_11 = arith.constant 0 : i32
    %dma_start3A_12 = tpu.memref_slice %arg2[%add3A_8, %dma_start3A_11] : memref<4096x1024xf32, #tpu.memory_space<hbm>> -> memref<16x1024xf32, #tpu.memory_space<hbm>>
    tpu.enqueue_dma source(%dma_start3A_12 : memref<16x1024xf32, #tpu.memory_space<hbm>>) target(%arg9 : memref<16x1024xf32, #tpu.memory_space<vmem>>) target_semaphore(%arg13 : memref<!tpu.dma_semaphore, #tpu.memory_space<semaphore_mem>>)
    %dma_start3A_13 = arith.constant 16 : i32
    %dma_start3A_14 = tpu.memref_slice %arg6[%dma_start3A_13] : memref<128xi32, #tpu.memory_space<vmem>> -> memref<16xi32, #tpu.memory_space<vmem>>
    %dma_start3A_15 = arith.constant 0 : i32
    %dma_start3A_16 = arith.constant 0 : i32
    %dma_start3A_17 = tpu.memref_slice %arg4[%dma_start3A_15, %dma_start3A_16] : memref<60000x1024xf32, #tpu.memory_space<hbm>> -> memref<60000x1024xf32, #tpu.memory_space<hbm>>
    tpu.enqueue_indirect_dma source(%dma_start3A_17 : memref<60000x1024xf32, #tpu.memory_space<hbm>>) target(%arg8 : memref<16x1024xf32, #tpu.memory_space<vmem>>) offsets(%dma_start3A_14 : memref<16xi32, #tpu.memory_space<vmem>>) semaphore(%arg12 : memref<!tpu.dma_semaphore, #tpu.memory_space<semaphore_mem>>)
    %add3A_18 = arith.constant 16 : i32
    %add3A_19 = arith.addi %mul3A_2, %add3A_18 : i32
    %dma_start3A_20 = arith.constant 0 : i32
    %dma_start3A_21 = tpu.memref_slice %arg2[%add3A_19, %dma_start3A_20] : memref<4096x1024xf32, #tpu.memory_space<hbm>> -> memref<16x1024xf32, #tpu.memory_space<hbm>>
    %dma_start3A_22 = arith.constant 0 : i32
    %dma_start3A_23 = tpu.memref_slice %arg2[%add3A_19, %dma_start3A_22] : memref<4096x1024xf32, #tpu.memory_space<hbm>> -> memref<16x1024xf32, #tpu.memory_space<hbm>>
    tpu.enqueue_dma source(%dma_start3A_23 : memref<16x1024xf32, #tpu.memory_space<hbm>>) target(%arg10 : memref<16x1024xf32, #tpu.memory_space<vmem>>) target_semaphore(%arg14 : memref<!tpu.dma_semaphore, #tpu.memory_space<semaphore_mem>>)
    %dma_wait3A = arith.constant 0 : i32
    %dma_wait3A_24 = tpu.memref_slice %arg6[%dma_wait3A] : memref<128xi32, #tpu.memory_space<vmem>> -> memref<16xi32, #tpu.memory_space<vmem>>
    %dma_wait3A_25 = arith.constant 0 : i32
    %dma_wait3A_26 = arith.constant 0 : i32
    %dma_wait3A_27 = tpu.memref_slice %arg4[%dma_wait3A_25, %dma_wait3A_26] : memref<60000x1024xf32, #tpu.memory_space<hbm>> -> memref<60000x1024xf32, #tpu.memory_space<hbm>>
    tpu.wait_indirect_dma semaphore(%arg11 : memref<!tpu.dma_semaphore, #tpu.memory_space<semaphore_mem>>) src(%dma_wait3A_27 : memref<60000x1024xf32, #tpu.memory_space<hbm>>) dst(%arg7 : memref<16x1024xf32, #tpu.memory_space<vmem>>)
    %dma_wait3A_28 = arith.constant 0 : i32
    %dma_wait3A_29 = tpu.memref_slice %arg2[%add3A_8, %dma_wait3A_28] : memref<4096x1024xf32, #tpu.memory_space<hbm>> -> memref<16x1024xf32, #tpu.memory_space<hbm>>
    %dma_wait3A_30 = arith.constant 0 : i32
    %dma_wait3A_31 = tpu.memref_slice %arg2[%add3A_8, %dma_wait3A_30] : memref<4096x1024xf32, #tpu.memory_space<hbm>> -> memref<16x1024xf32, #tpu.memory_space<hbm>>
    tpu.wait_dma2 semaphore(%arg13 : memref<!tpu.dma_semaphore, #tpu.memory_space<semaphore_mem>>) src(%dma_wait3A_31 : memref<16x1024xf32, #tpu.memory_space<hbm>>) dst(%arg9 : memref<16x1024xf32, #tpu.memory_space<vmem>>)
    %scan3A = arith.constant 0 : i32
    %scan3A_32 = arith.constant 0 : i32
    %scan3A_33 = arith.constant 16 : i32
    %scan3A_34 = arith.addi %scan3A_32, %scan3A_33 : i32
    %scan3A_35 = arith.constant 1 : i32
    %scan3A_36 = scf.for %scan3A_296 = %scan3A_32 to %scan3A_34 step %scan3A_35 iter_args(%scan3A_297 = %scan3A) -> (i32)  : i32 {
      %scan3A_298 = arith.constant 0 : i32
      %scan3A_299 = arith.constant 0 : i32
      %scan3A_300 = arith.constant 64 : i32
      %scan3A_301 = arith.addi %scan3A_299, %scan3A_300 : i32
      %scan3A_302 = arith.constant 1 : i32
      %scan3A_303 = scf.for %scan3A_306 = %scan3A_299 to %scan3A_301 step %scan3A_302 iter_args(%scan3A_307 = %scan3A_298) -> (i32)  : i32 {
        %mul3A_308 = arith.constant 16 : i32
        %mul3A_309 = arith.muli %scan3A_306, %mul3A_308 : i32
        %add3A_310 = arith.constant 0 : i32
        %add3A_311 = arith.addi %add3A_310, %mul3A_309 : i32
        %get3A = arith.index_cast %scan3A_296 : i32 to index
        %get3A_312 = arith.index_cast %add3A_311 : i32 to index
        %get3A_313 = tpu.vector_load %arg9[%get3A, %get3A_312] {strides = array<i32>} : memref<16x1024xf32, #tpu.memory_space<vmem>>, vector<1x16xf32>,
        %get3A_314 = vector.shape_cast %get3A_313 : vector<1x16xf32> to vector<16xf32>
        %get3A_315 = arith.index_cast %scan3A_296 : i32 to index
        %get3A_316 = arith.index_cast %mul3A_309 : i32 to index
        %get3A_317 = tpu.vector_load %arg7[%get3A_315, %get3A_316] {strides = array<i32>} : memref<16x1024xf32, #tpu.memory_space<vmem>>, vector<1x16xf32>,
        %get3A_318 = vector.shape_cast %get3A_317 : vector<1x16xf32> to vector<16xf32>
        %mul3A_319 = arith.mulf %get3A_314, %get3A_318 : vector<16xf32>
        %add3A_320 = arith.constant 0 : i32
        %add3A_321 = arith.addi %add3A_320, %mul3A_309 : i32
        %swap3A = arith.index_cast %scan3A_296 : i32 to index
        %swap3A_322 = arith.index_cast %add3A_321 : i32 to index
        %swap3A_323 = tpu.vector_load %arg9[%swap3A, %swap3A_322] {strides = array<i32>} : memref<16x1024xf32, #tpu.memory_space<vmem>>, vector<1x16xf32>,
        %swap3A_324 = vector.shape_cast %swap3A_323 : vector<1x16xf32> to vector<16xf32>
        %swap3A_325 = vector.shape_cast %mul3A_319 : vector<16xf32> to vector<1x16xf32>
        tpu.vector_store %arg9[%swap3A, %swap3A_322], %swap3A_325 {strides = array<i32>} : memref<16x1024xf32, #tpu.memory_space<vmem>>, vector<1x16xf32>,
        %scan3A_326 = arith.constant 0 : i32
        scf.yield %scan3A_326 : i32
      }
      %scan3A_304 = arith.constant 64 : i32
      %scan3A_305 = arith.constant 0 : i32
      scf.yield %scan3A_305 : i32
    }
    %scan3A_37 = arith.constant 16 : i32
    %add3A_38 = arith.constant 0 : i32
    %add3A_39 = arith.addi %mul3A_2, %add3A_38 : i32
    %dma_start3A_40 = arith.constant 0 : i32
    %dma_start3A_41 = tpu.memref_slice %arg5[%add3A_39, %dma_start3A_40] : memref<4096x1024xf32, #tpu.memory_space<hbm>> -> memref<16x1024xf32, #tpu.memory_space<hbm>>
    %dma_start3A_42 = arith.constant 0 : i32
    %dma_start3A_43 = tpu.memref_slice %arg5[%add3A_39, %dma_start3A_42] : memref<4096x1024xf32, #tpu.memory_space<hbm>> -> memref<16x1024xf32, #tpu.memory_space<hbm>>
    tpu.enqueue_dma source(%arg9 : memref<16x1024xf32, #tpu.memory_space<vmem>>) target(%dma_start3A_43 : memref<16x1024xf32, #tpu.memory_space<hbm>>) target_semaphore(%arg15 : memref<!tpu.dma_semaphore, #tpu.memory_space<semaphore_mem>>)
    %dma_wait3A_44 = arith.constant 0 : i32
    %dma_wait3A_45 = tpu.memref_slice %arg5[%add3A_39, %dma_wait3A_44] : memref<4096x1024xf32, #tpu.memory_space<hbm>> -> memref<16x1024xf32, #tpu.memory_space<hbm>>
    %dma_wait3A_46 = arith.constant 0 : i32
    %dma_wait3A_47 = tpu.memref_slice %arg5[%add3A_39, %dma_wait3A_46] : memref<4096x1024xf32, #tpu.memory_space<hbm>> -> memref<16x1024xf32, #tpu.memory_space<hbm>>
    tpu.wait_dma2 semaphore(%arg15 : memref<!tpu.dma_semaphore, #tpu.memory_space<semaphore_mem>>) src(%arg9 : memref<16x1024xf32, #tpu.memory_space<vmem>>) dst(%dma_wait3A_47 : memref<16x1024xf32, #tpu.memory_space<hbm>>)
    %dma_start3A_48 = arith.constant 32 : i32
    %dma_start3A_49 = tpu.memref_slice %arg6[%dma_start3A_48] : memref<128xi32, #tpu.memory_space<vmem>> -> memref<16xi32, #tpu.memory_space<vmem>>
    %dma_start3A_50 = arith.constant 0 : i32
    %dma_start3A_51 = arith.constant 0 : i32
    %dma_start3A_52 = tpu.memref_slice %arg4[%dma_start3A_50, %dma_start3A_51] : memref<60000x1024xf32, #tpu.memory_space<hbm>> -> memref<60000x1024xf32, #tpu.memory_space<hbm>>
    tpu.enqueue_indirect_dma source(%dma_start3A_52 : memref<60000x1024xf32, #tpu.memory_space<hbm>>) target(%arg7 : memref<16x1024xf32, #tpu.memory_space<vmem>>) offsets(%dma_start3A_49 : memref<16xi32, #tpu.memory_space<vmem>>) semaphore(%arg11 : memref<!tpu.dma_semaphore, #tpu.memory_space<semaphore_mem>>)
    %add3A_53 = arith.constant 32 : i32
    %add3A_54 = arith.addi %mul3A_2, %add3A_53 : i32
    %dma_start3A_55 = arith.constant 0 : i32
    %dma_start3A_56 = tpu.memref_slice %arg2[%add3A_54, %dma_start3A_55] : memref<4096x1024xf32, #tpu.memory_space<hbm>> -> memref<16x1024xf32, #tpu.memory_space<hbm>>
    %dma_start3A_57 = arith.constant 0 : i32
    %dma_start3A_58 = tpu.memref_slice %arg2[%add3A_54, %dma_start3A_57] : memref<4096x1024xf32, #tpu.memory_space<hbm>> -> memref<16x1024xf32, #tpu.memory_space<hbm>>
    tpu.enqueue_dma source(%dma_start3A_58 : memref<16x1024xf32, #tpu.memory_space<hbm>>) target(%arg9 : memref<16x1024xf32, #tpu.memory_space<vmem>>) target_semaphore(%arg13 : memref<!tpu.dma_semaphore, #tpu.memory_space<semaphore_mem>>)
    %dma_wait3A_59 = arith.constant 16 : i32
    %dma_wait3A_60 = tpu.memref_slice %arg6[%dma_wait3A_59] : memref<128xi32, #tpu.memory_space<vmem>> -> memref<16xi32, #tpu.memory_space<vmem>>
    %dma_wait3A_61 = arith.constant 0 : i32
    %dma_wait3A_62 = arith.constant 0 : i32
    %dma_wait3A_63 = tpu.memref_slice %arg4[%dma_wait3A_61, %dma_wait3A_62] : memref<60000x1024xf32, #tpu.memory_space<hbm>> -> memref<60000x1024xf32, #tpu.memory_space<hbm>>
    tpu.wait_indirect_dma semaphore(%arg12 : memref<!tpu.dma_semaphore, #tpu.memory_space<semaphore_mem>>) src(%dma_wait3A_63 : memref<60000x1024xf32, #tpu.memory_space<hbm>>) dst(%arg8 : memref<16x1024xf32, #tpu.memory_space<vmem>>)
    %dma_wait3A_64 = arith.constant 0 : i32
    %dma_wait3A_65 = tpu.memref_slice %arg2[%add3A_19, %dma_wait3A_64] : memref<4096x1024xf32, #tpu.memory_space<hbm>> -> memref<16x1024xf32, #tpu.memory_space<hbm>>
    %dma_wait3A_66 = arith.constant 0 : i32
    %dma_wait3A_67 = tpu.memref_slice %arg2[%add3A_19, %dma_wait3A_66] : memref<4096x1024xf32, #tpu.memory_space<hbm>> -> memref<16x1024xf32, #tpu.memory_space<hbm>>
    tpu.wait_dma2 semaphore(%arg14 : memref<!tpu.dma_semaphore, #tpu.memory_space<semaphore_mem>>) src(%dma_wait3A_67 : memref<16x1024xf32, #tpu.memory_space<hbm>>) dst(%arg10 : memref<16x1024xf32, #tpu.memory_space<vmem>>)
    %scan3A_68 = arith.constant 0 : i32
    %scan3A_69 = arith.constant 0 : i32
    %scan3A_70 = arith.constant 16 : i32
    %scan3A_71 = arith.addi %scan3A_69, %scan3A_70 : i32
    %scan3A_72 = arith.constant 1 : i32
    %scan3A_73 = scf.for %scan3A_296 = %scan3A_69 to %scan3A_71 step %scan3A_72 iter_args(%scan3A_297 = %scan3A_68) -> (i32)  : i32 {
      %scan3A_298 = arith.constant 0 : i32
      %scan3A_299 = arith.constant 0 : i32
      %scan3A_300 = arith.constant 64 : i32
      %scan3A_301 = arith.addi %scan3A_299, %scan3A_300 : i32
      %scan3A_302 = arith.constant 1 : i32
      %scan3A_303 = scf.for %scan3A_306 = %scan3A_299 to %scan3A_301 step %scan3A_302 iter_args(%scan3A_307 = %scan3A_298) -> (i32)  : i32 {
        %mul3A_308 = arith.constant 16 : i32
        %mul3A_309 = arith.muli %scan3A_306, %mul3A_308 : i32
        %add3A_310 = arith.constant 0 : i32
        %add3A_311 = arith.addi %add3A_310, %mul3A_309 : i32
        %get3A = arith.index_cast %scan3A_296 : i32 to index
        %get3A_312 = arith.index_cast %add3A_311 : i32 to index
        %get3A_313 = tpu.vector_load %arg10[%get3A, %get3A_312] {strides = array<i32>} : memref<16x1024xf32, #tpu.memory_space<vmem>>, vector<1x16xf32>,
        %get3A_314 = vector.shape_cast %get3A_313 : vector<1x16xf32> to vector<16xf32>
        %get3A_315 = arith.index_cast %scan3A_296 : i32 to index
        %get3A_316 = arith.index_cast %mul3A_309 : i32 to index
        %get3A_317 = tpu.vector_load %arg8[%get3A_315, %get3A_316] {strides = array<i32>} : memref<16x1024xf32, #tpu.memory_space<vmem>>, vector<1x16xf32>,
        %get3A_318 = vector.shape_cast %get3A_317 : vector<1x16xf32> to vector<16xf32>
        %mul3A_319 = arith.mulf %get3A_314, %get3A_318 : vector<16xf32>
        %add3A_320 = arith.constant 0 : i32
        %add3A_321 = arith.addi %add3A_320, %mul3A_309 : i32
        %swap3A = arith.index_cast %scan3A_296 : i32 to index
        %swap3A_322 = arith.index_cast %add3A_321 : i32 to index
        %swap3A_323 = tpu.vector_load %arg10[%swap3A, %swap3A_322] {strides = array<i32>} : memref<16x1024xf32, #tpu.memory_space<vmem>>, vector<1x16xf32>,
        %swap3A_324 = vector.shape_cast %swap3A_323 : vector<1x16xf32> to vector<16xf32>
        %swap3A_325 = vector.shape_cast %mul3A_319 : vector<16xf32> to vector<1x16xf32>
        tpu.vector_store %arg10[%swap3A, %swap3A_322], %swap3A_325 {strides = array<i32>} : memref<16x1024xf32, #tpu.memory_space<vmem>>, vector<1x16xf32>,
        %scan3A_326 = arith.constant 0 : i32
        scf.yield %scan3A_326 : i32
      }
      %scan3A_304 = arith.constant 64 : i32
      %scan3A_305 = arith.constant 0 : i32
      scf.yield %scan3A_305 : i32
    }
    %scan3A_74 = arith.constant 16 : i32
    %add3A_75 = arith.constant 16 : i32
    %add3A_76 = arith.addi %mul3A_2, %add3A_75 : i32
    %dma_start3A_77 = arith.constant 0 : i32
    %dma_start3A_78 = tpu.memref_slice %arg5[%add3A_76, %dma_start3A_77] : memref<4096x1024xf32, #tpu.memory_space<hbm>> -> memref<16x1024xf32, #tpu.memory_space<hbm>>
    %dma_start3A_79 = arith.constant 0 : i32
    %dma_start3A_80 = tpu.memref_slice %arg5[%add3A_76, %dma_start3A_79] : memref<4096x1024xf32, #tpu.memory_space<hbm>> -> memref<16x1024xf32, #tpu.memory_space<hbm>>
    tpu.enqueue_dma source(%arg10 : memref<16x1024xf32, #tpu.memory_space<vmem>>) target(%dma_start3A_80 : memref<16x1024xf32, #tpu.memory_space<hbm>>) target_semaphore(%arg16 : memref<!tpu.dma_semaphore, #tpu.memory_space<semaphore_mem>>)
    %dma_wait3A_81 = arith.constant 0 : i32
    %dma_wait3A_82 = tpu.memref_slice %arg5[%add3A_76, %dma_wait3A_81] : memref<4096x1024xf32, #tpu.memory_space<hbm>> -> memref<16x1024xf32, #tpu.memory_space<hbm>>
    %dma_wait3A_83 = arith.constant 0 : i32
    %dma_wait3A_84 = tpu.memref_slice %arg5[%add3A_76, %dma_wait3A_83] : memref<4096x1024xf32, #tpu.memory_space<hbm>> -> memref<16x1024xf32, #tpu.memory_space<hbm>>
    tpu.wait_dma2 semaphore(%arg16 : memref<!tpu.dma_semaphore, #tpu.memory_space<semaphore_mem>>) src(%arg10 : memref<16x1024xf32, #tpu.memory_space<vmem>>) dst(%dma_wait3A_84 : memref<16x1024xf32, #tpu.memory_space<hbm>>)
    %dma_start3A_85 = arith.constant 48 : i32
    %dma_start3A_86 = tpu.memref_slice %arg6[%dma_start3A_85] : memref<128xi32, #tpu.memory_space<vmem>> -> memref<16xi32, #tpu.memory_space<vmem>>
    %dma_start3A_87 = arith.constant 0 : i32
    %dma_start3A_88 = arith.constant 0 : i32
    %dma_start3A_89 = tpu.memref_slice %arg4[%dma_start3A_87, %dma_start3A_88] : memref<60000x1024xf32, #tpu.memory_space<hbm>> -> memref<60000x1024xf32, #tpu.memory_space<hbm>>
    tpu.enqueue_indirect_dma source(%dma_start3A_89 : memref<60000x1024xf32, #tpu.memory_space<hbm>>) target(%arg8 : memref<16x1024xf32, #tpu.memory_space<vmem>>) offsets(%dma_start3A_86 : memref<16xi32, #tpu.memory_space<vmem>>) semaphore(%arg12 : memref<!tpu.dma_semaphore, #tpu.memory_space<semaphore_mem>>)
    %add3A_90 = arith.constant 48 : i32
    %add3A_91 = arith.addi %mul3A_2, %add3A_90 : i32
    %dma_start3A_92 = arith.constant 0 : i32
    %dma_start3A_93 = tpu.memref_slice %arg2[%add3A_91, %dma_start3A_92] : memref<4096x1024xf32, #tpu.memory_space<hbm>> -> memref<16x1024xf32, #tpu.memory_space<hbm>>
    %dma_start3A_94 = arith.constant 0 : i32
    %dma_start3A_95 = tpu.memref_slice %arg2[%add3A_91, %dma_start3A_94] : memref<4096x1024xf32, #tpu.memory_space<hbm>> -> memref<16x1024xf32, #tpu.memory_space<hbm>>
    tpu.enqueue_dma source(%dma_start3A_95 : memref<16x1024xf32, #tpu.memory_space<hbm>>) target(%arg10 : memref<16x1024xf32, #tpu.memory_space<vmem>>) target_semaphore(%arg14 : memref<!tpu.dma_semaphore, #tpu.memory_space<semaphore_mem>>)
    %dma_wait3A_96 = arith.constant 32 : i32
    %dma_wait3A_97 = tpu.memref_slice %arg6[%dma_wait3A_96] : memref<128xi32, #tpu.memory_space<vmem>> -> memref<16xi32, #tpu.memory_space<vmem>>
    %dma_wait3A_98 = arith.constant 0 : i32
    %dma_wait3A_99 = arith.constant 0 : i32
    %dma_wait3A_100 = tpu.memref_slice %arg4[%dma_wait3A_98, %dma_wait3A_99] : memref<60000x1024xf32, #tpu.memory_space<hbm>> -> memref<60000x1024xf32, #tpu.memory_space<hbm>>
    tpu.wait_indirect_dma semaphore(%arg11 : memref<!tpu.dma_semaphore, #tpu.memory_space<semaphore_mem>>) src(%dma_wait3A_100 : memref<60000x1024xf32, #tpu.memory_space<hbm>>) dst(%arg7 : memref<16x1024xf32, #tpu.memory_space<vmem>>)
    %dma_wait3A_101 = arith.constant 0 : i32
    %dma_wait3A_102 = tpu.memref_slice %arg2[%add3A_54, %dma_wait3A_101] : memref<4096x1024xf32, #tpu.memory_space<hbm>> -> memref<16x1024xf32, #tpu.memory_space<hbm>>
    %dma_wait3A_103 = arith.constant 0 : i32
    %dma_wait3A_104 = tpu.memref_slice %arg2[%add3A_54, %dma_wait3A_103] : memref<4096x1024xf32, #tpu.memory_space<hbm>> -> memref<16x1024xf32, #tpu.memory_space<hbm>>
    tpu.wait_dma2 semaphore(%arg13 : memref<!tpu.dma_semaphore, #tpu.memory_space<semaphore_mem>>) src(%dma_wait3A_104 : memref<16x1024xf32, #tpu.memory_space<hbm>>) dst(%arg9 : memref<16x1024xf32, #tpu.memory_space<vmem>>)
    %scan3A_105 = arith.constant 0 : i32
    %scan3A_106 = arith.constant 0 : i32
    %scan3A_107 = arith.constant 16 : i32
    %scan3A_108 = arith.addi %scan3A_106, %scan3A_107 : i32
    %scan3A_109 = arith.constant 1 : i32
    %scan3A_110 = scf.for %scan3A_296 = %scan3A_106 to %scan3A_108 step %scan3A_109 iter_args(%scan3A_297 = %scan3A_105) -> (i32)  : i32 {
      %scan3A_298 = arith.constant 0 : i32
      %scan3A_299 = arith.constant 0 : i32
      %scan3A_300 = arith.constant 64 : i32
      %scan3A_301 = arith.addi %scan3A_299, %scan3A_300 : i32
      %scan3A_302 = arith.constant 1 : i32
      %scan3A_303 = scf.for %scan3A_306 = %scan3A_299 to %scan3A_301 step %scan3A_302 iter_args(%scan3A_307 = %scan3A_298) -> (i32)  : i32 {
        %mul3A_308 = arith.constant 16 : i32
        %mul3A_309 = arith.muli %scan3A_306, %mul3A_308 : i32
        %add3A_310 = arith.constant 0 : i32
        %add3A_311 = arith.addi %add3A_310, %mul3A_309 : i32
        %get3A = arith.index_cast %scan3A_296 : i32 to index
        %get3A_312 = arith.index_cast %add3A_311 : i32 to index
        %get3A_313 = tpu.vector_load %arg9[%get3A, %get3A_312] {strides = array<i32>} : memref<16x1024xf32, #tpu.memory_space<vmem>>, vector<1x16xf32>,
        %get3A_314 = vector.shape_cast %get3A_313 : vector<1x16xf32> to vector<16xf32>
        %get3A_315 = arith.index_cast %scan3A_296 : i32 to index
        %get3A_316 = arith.index_cast %mul3A_309 : i32 to index
        %get3A_317 = tpu.vector_load %arg7[%get3A_315, %get3A_316] {strides = array<i32>} : memref<16x1024xf32, #tpu.memory_space<vmem>>, vector<1x16xf32>,
        %get3A_318 = vector.shape_cast %get3A_317 : vector<1x16xf32> to vector<16xf32>
        %mul3A_319 = arith.mulf %get3A_314, %get3A_318 : vector<16xf32>
        %add3A_320 = arith.constant 0 : i32
        %add3A_321 = arith.addi %add3A_320, %mul3A_309 : i32
        %swap3A = arith.index_cast %scan3A_296 : i32 to index
        %swap3A_322 = arith.index_cast %add3A_321 : i32 to index
        %swap3A_323 = tpu.vector_load %arg9[%swap3A, %swap3A_322] {strides = array<i32>} : memref<16x1024xf32, #tpu.memory_space<vmem>>, vector<1x16xf32>,
        %swap3A_324 = vector.shape_cast %swap3A_323 : vector<1x16xf32> to vector<16xf32>
        %swap3A_325 = vector.shape_cast %mul3A_319 : vector<16xf32> to vector<1x16xf32>
        tpu.vector_store %arg9[%swap3A, %swap3A_322], %swap3A_325 {strides = array<i32>} : memref<16x1024xf32, #tpu.memory_space<vmem>>, vector<1x16xf32>,
        %scan3A_326 = arith.constant 0 : i32
        scf.yield %scan3A_326 : i32
      }
      %scan3A_304 = arith.constant 64 : i32
      %scan3A_305 = arith.constant 0 : i32
      scf.yield %scan3A_305 : i32
    }
    %scan3A_111 = arith.constant 16 : i32
    %add3A_112 = arith.constant 32 : i32
    %add3A_113 = arith.addi %mul3A_2, %add3A_112 : i32
    %dma_start3A_114 = arith.constant 0 : i32
    %dma_start3A_115 = tpu.memref_slice %arg5[%add3A_113, %dma_start3A_114] : memref<4096x1024xf32, #tpu.memory_space<hbm>> -> memref<16x1024xf32, #tpu.memory_space<hbm>>
    %dma_start3A_116 = arith.constant 0 : i32
    %dma_start3A_117 = tpu.memref_slice %arg5[%add3A_113, %dma_start3A_116] : memref<4096x1024xf32, #tpu.memory_space<hbm>> -> memref<16x1024xf32, #tpu.memory_space<hbm>>
    tpu.enqueue_dma source(%arg9 : memref<16x1024xf32, #tpu.memory_space<vmem>>) target(%dma_start3A_117 : memref<16x1024xf32, #tpu.memory_space<hbm>>) target_semaphore(%arg15 : memref<!tpu.dma_semaphore, #tpu.memory_space<semaphore_mem>>)
    %dma_wait3A_118 = arith.constant 0 : i32
    %dma_wait3A_119 = tpu.memref_slice %arg5[%add3A_113, %dma_wait3A_118] : memref<4096x1024xf32, #tpu.memory_space<hbm>> -> memref<16x1024xf32, #tpu.memory_space<hbm>>
    %dma_wait3A_120 = arith.constant 0 : i32
    %dma_wait3A_121 = tpu.memref_slice %arg5[%add3A_113, %dma_wait3A_120] : memref<4096x1024xf32, #tpu.memory_space<hbm>> -> memref<16x1024xf32, #tpu.memory_space<hbm>>
    tpu.wait_dma2 semaphore(%arg15 : memref<!tpu.dma_semaphore, #tpu.memory_space<semaphore_mem>>) src(%arg9 : memref<16x1024xf32, #tpu.memory_space<vmem>>) dst(%dma_wait3A_121 : memref<16x1024xf32, #tpu.memory_space<hbm>>)
    %dma_start3A_122 = arith.constant 64 : i32
    %dma_start3A_123 = tpu.memref_slice %arg6[%dma_start3A_122] : memref<128xi32, #tpu.memory_space<vmem>> -> memref<16xi32, #tpu.memory_space<vmem>>
    %dma_start3A_124 = arith.constant 0 : i32
    %dma_start3A_125 = arith.constant 0 : i32
    %dma_start3A_126 = tpu.memref_slice %arg4[%dma_start3A_124, %dma_start3A_125] : memref<60000x1024xf32, #tpu.memory_space<hbm>> -> memref<60000x1024xf32, #tpu.memory_space<hbm>>
    tpu.enqueue_indirect_dma source(%dma_start3A_126 : memref<60000x1024xf32, #tpu.memory_space<hbm>>) target(%arg7 : memref<16x1024xf32, #tpu.memory_space<vmem>>) offsets(%dma_start3A_123 : memref<16xi32, #tpu.memory_space<vmem>>) semaphore(%arg11 : memref<!tpu.dma_semaphore, #tpu.memory_space<semaphore_mem>>)
    %add3A_127 = arith.constant 64 : i32
    %add3A_128 = arith.addi %mul3A_2, %add3A_127 : i32
    %dma_start3A_129 = arith.constant 0 : i32
    %dma_start3A_130 = tpu.memref_slice %arg2[%add3A_128, %dma_start3A_129] : memref<4096x1024xf32, #tpu.memory_space<hbm>> -> memref<16x1024xf32, #tpu.memory_space<hbm>>
    %dma_start3A_131 = arith.constant 0 : i32
    %dma_start3A_132 = tpu.memref_slice %arg2[%add3A_128, %dma_start3A_131] : memref<4096x1024xf32, #tpu.memory_space<hbm>> -> memref<16x1024xf32, #tpu.memory_space<hbm>>
    tpu.enqueue_dma source(%dma_start3A_132 : memref<16x1024xf32, #tpu.memory_space<hbm>>) target(%arg9 : memref<16x1024xf32, #tpu.memory_space<vmem>>) target_semaphore(%arg13 : memref<!tpu.dma_semaphore, #tpu.memory_space<semaphore_mem>>)
    %dma_wait3A_133 = arith.constant 48 : i32
    %dma_wait3A_134 = tpu.memref_slice %arg6[%dma_wait3A_133] : memref<128xi32, #tpu.memory_space<vmem>> -> memref<16xi32, #tpu.memory_space<vmem>>
    %dma_wait3A_135 = arith.constant 0 : i32
    %dma_wait3A_136 = arith.constant 0 : i32
    %dma_wait3A_137 = tpu.memref_slice %arg4[%dma_wait3A_135, %dma_wait3A_136] : memref<60000x1024xf32, #tpu.memory_space<hbm>> -> memref<60000x1024xf32, #tpu.memory_space<hbm>>
    tpu.wait_indirect_dma semaphore(%arg12 : memref<!tpu.dma_semaphore, #tpu.memory_space<semaphore_mem>>) src(%dma_wait3A_137 : memref<60000x1024xf32, #tpu.memory_space<hbm>>) dst(%arg8 : memref<16x1024xf32, #tpu.memory_space<vmem>>)
    %dma_wait3A_138 = arith.constant 0 : i32
    %dma_wait3A_139 = tpu.memref_slice %arg2[%add3A_91, %dma_wait3A_138] : memref<4096x1024xf32, #tpu.memory_space<hbm>> -> memref<16x1024xf32, #tpu.memory_space<hbm>>
    %dma_wait3A_140 = arith.constant 0 : i32
    %dma_wait3A_141 = tpu.memref_slice %arg2[%add3A_91, %dma_wait3A_140] : memref<4096x1024xf32, #tpu.memory_space<hbm>> -> memref<16x1024xf32, #tpu.memory_space<hbm>>
    tpu.wait_dma2 semaphore(%arg14 : memref<!tpu.dma_semaphore, #tpu.memory_space<semaphore_mem>>) src(%dma_wait3A_141 : memref<16x1024xf32, #tpu.memory_space<hbm>>) dst(%arg10 : memref<16x1024xf32, #tpu.memory_space<vmem>>)
    %scan3A_142 = arith.constant 0 : i32
    %scan3A_143 = arith.constant 0 : i32
    %scan3A_144 = arith.constant 16 : i32
    %scan3A_145 = arith.addi %scan3A_143, %scan3A_144 : i32
    %scan3A_146 = arith.constant 1 : i32
    %scan3A_147 = scf.for %scan3A_296 = %scan3A_143 to %scan3A_145 step %scan3A_146 iter_args(%scan3A_297 = %scan3A_142) -> (i32)  : i32 {
      %scan3A_298 = arith.constant 0 : i32
      %scan3A_299 = arith.constant 0 : i32
      %scan3A_300 = arith.constant 64 : i32
      %scan3A_301 = arith.addi %scan3A_299, %scan3A_300 : i32
      %scan3A_302 = arith.constant 1 : i32
      %scan3A_303 = scf.for %scan3A_306 = %scan3A_299 to %scan3A_301 step %scan3A_302 iter_args(%scan3A_307 = %scan3A_298) -> (i32)  : i32 {
        %mul3A_308 = arith.constant 16 : i32
        %mul3A_309 = arith.muli %scan3A_306, %mul3A_308 : i32
        %add3A_310 = arith.constant 0 : i32
        %add3A_311 = arith.addi %add3A_310, %mul3A_309 : i32
        %get3A = arith.index_cast %scan3A_296 : i32 to index
        %get3A_312 = arith.index_cast %add3A_311 : i32 to index
        %get3A_313 = tpu.vector_load %arg10[%get3A, %get3A_312] {strides = array<i32>} : memref<16x1024xf32, #tpu.memory_space<vmem>>, vector<1x16xf32>,
        %get3A_314 = vector.shape_cast %get3A_313 : vector<1x16xf32> to vector<16xf32>
        %get3A_315 = arith.index_cast %scan3A_296 : i32 to index
        %get3A_316 = arith.index_cast %mul3A_309 : i32 to index
        %get3A_317 = tpu.vector_load %arg8[%get3A_315, %get3A_316] {strides = array<i32>} : memref<16x1024xf32, #tpu.memory_space<vmem>>, vector<1x16xf32>,
        %get3A_318 = vector.shape_cast %get3A_317 : vector<1x16xf32> to vector<16xf32>
        %mul3A_319 = arith.mulf %get3A_314, %get3A_318 : vector<16xf32>
        %add3A_320 = arith.constant 0 : i32
        %add3A_321 = arith.addi %add3A_320, %mul3A_309 : i32
        %swap3A = arith.index_cast %scan3A_296 : i32 to index
        %swap3A_322 = arith.index_cast %add3A_321 : i32 to index
        %swap3A_323 = tpu.vector_load %arg10[%swap3A, %swap3A_322] {strides = array<i32>} : memref<16x1024xf32, #tpu.memory_space<vmem>>, vector<1x16xf32>,
        %swap3A_324 = vector.shape_cast %swap3A_323 : vector<1x16xf32> to vector<16xf32>
        %swap3A_325 = vector.shape_cast %mul3A_319 : vector<16xf32> to vector<1x16xf32>
        tpu.vector_store %arg10[%swap3A, %swap3A_322], %swap3A_325 {strides = array<i32>} : memref<16x1024xf32, #tpu.memory_space<vmem>>, vector<1x16xf32>,
        %scan3A_326 = arith.constant 0 : i32
        scf.yield %scan3A_326 : i32
      }
      %scan3A_304 = arith.constant 64 : i32
      %scan3A_305 = arith.constant 0 : i32
      scf.yield %scan3A_305 : i32
    }
    %scan3A_148 = arith.constant 16 : i32
    %add3A_149 = arith.constant 48 : i32
    %add3A_150 = arith.addi %mul3A_2, %add3A_149 : i32
    %dma_start3A_151 = arith.constant 0 : i32
    %dma_start3A_152 = tpu.memref_slice %arg5[%add3A_150, %dma_start3A_151] : memref<4096x1024xf32, #tpu.memory_space<hbm>> -> memref<16x1024xf32, #tpu.memory_space<hbm>>
    %dma_start3A_153 = arith.constant 0 : i32
    %dma_start3A_154 = tpu.memref_slice %arg5[%add3A_150, %dma_start3A_153] : memref<4096x1024xf32, #tpu.memory_space<hbm>> -> memref<16x1024xf32, #tpu.memory_space<hbm>>
    tpu.enqueue_dma source(%arg10 : memref<16x1024xf32, #tpu.memory_space<vmem>>) target(%dma_start3A_154 : memref<16x1024xf32, #tpu.memory_space<hbm>>) target_semaphore(%arg16 : memref<!tpu.dma_semaphore, #tpu.memory_space<semaphore_mem>>)
    %dma_wait3A_155 = arith.constant 0 : i32
    %dma_wait3A_156 = tpu.memref_slice %arg5[%add3A_150, %dma_wait3A_155] : memref<4096x1024xf32, #tpu.memory_space<hbm>> -> memref<16x1024xf32, #tpu.memory_space<hbm>>
    %dma_wait3A_157 = arith.constant 0 : i32
    %dma_wait3A_158 = tpu.memref_slice %arg5[%add3A_150, %dma_wait3A_157] : memref<4096x1024xf32, #tpu.memory_space<hbm>> -> memref<16x1024xf32, #tpu.memory_space<hbm>>
    tpu.wait_dma2 semaphore(%arg16 : memref<!tpu.dma_semaphore, #tpu.memory_space<semaphore_mem>>) src(%arg10 : memref<16x1024xf32, #tpu.memory_space<vmem>>) dst(%dma_wait3A_158 : memref<16x1024xf32, #tpu.memory_space<hbm>>)
    %dma_start3A_159 = arith.constant 80 : i32
    %dma_start3A_160 = tpu.memref_slice %arg6[%dma_start3A_159] : memref<128xi32, #tpu.memory_space<vmem>> -> memref<16xi32, #tpu.memory_space<vmem>>
    %dma_start3A_161 = arith.constant 0 : i32
    %dma_start3A_162 = arith.constant 0 : i32
    %dma_start3A_163 = tpu.memref_slice %arg4[%dma_start3A_161, %dma_start3A_162] : memref<60000x1024xf32, #tpu.memory_space<hbm>> -> memref<60000x1024xf32, #tpu.memory_space<hbm>>
    tpu.enqueue_indirect_dma source(%dma_start3A_163 : memref<60000x1024xf32, #tpu.memory_space<hbm>>) target(%arg8 : memref<16x1024xf32, #tpu.memory_space<vmem>>) offsets(%dma_start3A_160 : memref<16xi32, #tpu.memory_space<vmem>>) semaphore(%arg12 : memref<!tpu.dma_semaphore, #tpu.memory_space<semaphore_mem>>)
    %add3A_164 = arith.constant 80 : i32
    %add3A_165 = arith.addi %mul3A_2, %add3A_164 : i32
    %dma_start3A_166 = arith.constant 0 : i32
    %dma_start3A_167 = tpu.memref_slice %arg2[%add3A_165, %dma_start3A_166] : memref<4096x1024xf32, #tpu.memory_space<hbm>> -> memref<16x1024xf32, #tpu.memory_space<hbm>>
    %dma_start3A_168 = arith.constant 0 : i32
    %dma_start3A_169 = tpu.memref_slice %arg2[%add3A_165, %dma_start3A_168] : memref<4096x1024xf32, #tpu.memory_space<hbm>> -> memref<16x1024xf32, #tpu.memory_space<hbm>>
    tpu.enqueue_dma source(%dma_start3A_169 : memref<16x1024xf32, #tpu.memory_space<hbm>>) target(%arg10 : memref<16x1024xf32, #tpu.memory_space<vmem>>) target_semaphore(%arg14 : memref<!tpu.dma_semaphore, #tpu.memory_space<semaphore_mem>>)
    %dma_wait3A_170 = arith.constant 64 : i32
    %dma_wait3A_171 = tpu.memref_slice %arg6[%dma_wait3A_170] : memref<128xi32, #tpu.memory_space<vmem>> -> memref<16xi32, #tpu.memory_space<vmem>>
    %dma_wait3A_172 = arith.constant 0 : i32
    %dma_wait3A_173 = arith.constant 0 : i32
    %dma_wait3A_174 = tpu.memref_slice %arg4[%dma_wait3A_172, %dma_wait3A_173] : memref<60000x1024xf32, #tpu.memory_space<hbm>> -> memref<60000x1024xf32, #tpu.memory_space<hbm>>
    tpu.wait_indirect_dma semaphore(%arg11 : memref<!tpu.dma_semaphore, #tpu.memory_space<semaphore_mem>>) src(%dma_wait3A_174 : memref<60000x1024xf32, #tpu.memory_space<hbm>>) dst(%arg7 : memref<16x1024xf32, #tpu.memory_space<vmem>>)
    %dma_wait3A_175 = arith.constant 0 : i32
    %dma_wait3A_176 = tpu.memref_slice %arg2[%add3A_128, %dma_wait3A_175] : memref<4096x1024xf32, #tpu.memory_space<hbm>> -> memref<16x1024xf32, #tpu.memory_space<hbm>>
    %dma_wait3A_177 = arith.constant 0 : i32
    %dma_wait3A_178 = tpu.memref_slice %arg2[%add3A_128, %dma_wait3A_177] : memref<4096x1024xf32, #tpu.memory_space<hbm>> -> memref<16x1024xf32, #tpu.memory_space<hbm>>
    tpu.wait_dma2 semaphore(%arg13 : memref<!tpu.dma_semaphore, #tpu.memory_space<semaphore_mem>>) src(%dma_wait3A_178 : memref<16x1024xf32, #tpu.memory_space<hbm>>) dst(%arg9 : memref<16x1024xf32, #tpu.memory_space<vmem>>)
    %scan3A_179 = arith.constant 0 : i32
    %scan3A_180 = arith.constant 0 : i32
    %scan3A_181 = arith.constant 16 : i32
    %scan3A_182 = arith.addi %scan3A_180, %scan3A_181 : i32
    %scan3A_183 = arith.constant 1 : i32
    %scan3A_184 = scf.for %scan3A_296 = %scan3A_180 to %scan3A_182 step %scan3A_183 iter_args(%scan3A_297 = %scan3A_179) -> (i32)  : i32 {
      %scan3A_298 = arith.constant 0 : i32
      %scan3A_299 = arith.constant 0 : i32
      %scan3A_300 = arith.constant 64 : i32
      %scan3A_301 = arith.addi %scan3A_299, %scan3A_300 : i32
      %scan3A_302 = arith.constant 1 : i32
      %scan3A_303 = scf.for %scan3A_306 = %scan3A_299 to %scan3A_301 step %scan3A_302 iter_args(%scan3A_307 = %scan3A_298) -> (i32)  : i32 {
        %mul3A_308 = arith.constant 16 : i32
        %mul3A_309 = arith.muli %scan3A_306, %mul3A_308 : i32
        %add3A_310 = arith.constant 0 : i32
        %add3A_311 = arith.addi %add3A_310, %mul3A_309 : i32
        %get3A = arith.index_cast %scan3A_296 : i32 to index
        %get3A_312 = arith.index_cast %add3A_311 : i32 to index
        %get3A_313 = tpu.vector_load %arg9[%get3A, %get3A_312] {strides = array<i32>} : memref<16x1024xf32, #tpu.memory_space<vmem>>, vector<1x16xf32>,
        %get3A_314 = vector.shape_cast %get3A_313 : vector<1x16xf32> to vector<16xf32>
        %get3A_315 = arith.index_cast %scan3A_296 : i32 to index
        %get3A_316 = arith.index_cast %mul3A_309 : i32 to index
        %get3A_317 = tpu.vector_load %arg7[%get3A_315, %get3A_316] {strides = array<i32>} : memref<16x1024xf32, #tpu.memory_space<vmem>>, vector<1x16xf32>,
        %get3A_318 = vector.shape_cast %get3A_317 : vector<1x16xf32> to vector<16xf32>
        %mul3A_319 = arith.mulf %get3A_314, %get3A_318 : vector<16xf32>
        %add3A_320 = arith.constant 0 : i32
        %add3A_321 = arith.addi %add3A_320, %mul3A_309 : i32
        %swap3A = arith.index_cast %scan3A_296 : i32 to index
        %swap3A_322 = arith.index_cast %add3A_321 : i32 to index
        %swap3A_323 = tpu.vector_load %arg9[%swap3A, %swap3A_322] {strides = array<i32>} : memref<16x1024xf32, #tpu.memory_space<vmem>>, vector<1x16xf32>,
        %swap3A_324 = vector.shape_cast %swap3A_323 : vector<1x16xf32> to vector<16xf32>
        %swap3A_325 = vector.shape_cast %mul3A_319 : vector<16xf32> to vector<1x16xf32>
        tpu.vector_store %arg9[%swap3A, %swap3A_322], %swap3A_325 {strides = array<i32>} : memref<16x1024xf32, #tpu.memory_space<vmem>>, vector<1x16xf32>,
        %scan3A_326 = arith.constant 0 : i32
        scf.yield %scan3A_326 : i32
      }
      %scan3A_304 = arith.constant 64 : i32
      %scan3A_305 = arith.constant 0 : i32
      scf.yield %scan3A_305 : i32
    }
    %scan3A_185 = arith.constant 16 : i32
    %add3A_186 = arith.constant 64 : i32
    %add3A_187 = arith.addi %mul3A_2, %add3A_186 : i32
    %dma_start3A_188 = arith.constant 0 : i32
    %dma_start3A_189 = tpu.memref_slice %arg5[%add3A_187, %dma_start3A_188] : memref<4096x1024xf32, #tpu.memory_space<hbm>> -> memref<16x1024xf32, #tpu.memory_space<hbm>>
    %dma_start3A_190 = arith.constant 0 : i32
    %dma_start3A_191 = tpu.memref_slice %arg5[%add3A_187, %dma_start3A_190] : memref<4096x1024xf32, #tpu.memory_space<hbm>> -> memref<16x1024xf32, #tpu.memory_space<hbm>>
    tpu.enqueue_dma source(%arg9 : memref<16x1024xf32, #tpu.memory_space<vmem>>) target(%dma_start3A_191 : memref<16x1024xf32, #tpu.memory_space<hbm>>) target_semaphore(%arg15 : memref<!tpu.dma_semaphore, #tpu.memory_space<semaphore_mem>>)
    %dma_wait3A_192 = arith.constant 0 : i32
    %dma_wait3A_193 = tpu.memref_slice %arg5[%add3A_187, %dma_wait3A_192] : memref<4096x1024xf32, #tpu.memory_space<hbm>> -> memref<16x1024xf32, #tpu.memory_space<hbm>>
    %dma_wait3A_194 = arith.constant 0 : i32
    %dma_wait3A_195 = tpu.memref_slice %arg5[%add3A_187, %dma_wait3A_194] : memref<4096x1024xf32, #tpu.memory_space<hbm>> -> memref<16x1024xf32, #tpu.memory_space<hbm>>
    tpu.wait_dma2 semaphore(%arg15 : memref<!tpu.dma_semaphore, #tpu.memory_space<semaphore_mem>>) src(%arg9 : memref<16x1024xf32, #tpu.memory_space<vmem>>) dst(%dma_wait3A_195 : memref<16x1024xf32, #tpu.memory_space<hbm>>)
    %dma_start3A_196 = arith.constant 96 : i32
    %dma_start3A_197 = tpu.memref_slice %arg6[%dma_start3A_196] : memref<128xi32, #tpu.memory_space<vmem>> -> memref<16xi32, #tpu.memory_space<vmem>>
    %dma_start3A_198 = arith.constant 0 : i32
    %dma_start3A_199 = arith.constant 0 : i32
    %dma_start3A_200 = tpu.memref_slice %arg4[%dma_start3A_198, %dma_start3A_199] : memref<60000x1024xf32, #tpu.memory_space<hbm>> -> memref<60000x1024xf32, #tpu.memory_space<hbm>>
    tpu.enqueue_indirect_dma source(%dma_start3A_200 : memref<60000x1024xf32, #tpu.memory_space<hbm>>) target(%arg7 : memref<16x1024xf32, #tpu.memory_space<vmem>>) offsets(%dma_start3A_197 : memref<16xi32, #tpu.memory_space<vmem>>) semaphore(%arg11 : memref<!tpu.dma_semaphore, #tpu.memory_space<semaphore_mem>>)
    %add3A_201 = arith.constant 96 : i32
    %add3A_202 = arith.addi %mul3A_2, %add3A_201 : i32
    %dma_start3A_203 = arith.constant 0 : i32
    %dma_start3A_204 = tpu.memref_slice %arg2[%add3A_202, %dma_start3A_203] : memref<4096x1024xf32, #tpu.memory_space<hbm>> -> memref<16x1024xf32, #tpu.memory_space<hbm>>
    %dma_start3A_205 = arith.constant 0 : i32
    %dma_start3A_206 = tpu.memref_slice %arg2[%add3A_202, %dma_start3A_205] : memref<4096x1024xf32, #tpu.memory_space<hbm>> -> memref<16x1024xf32, #tpu.memory_space<hbm>>
    tpu.enqueue_dma source(%dma_start3A_206 : memref<16x1024xf32, #tpu.memory_space<hbm>>) target(%arg9 : memref<16x1024xf32, #tpu.memory_space<vmem>>) target_semaphore(%arg13 : memref<!tpu.dma_semaphore, #tpu.memory_space<semaphore_mem>>)
    %dma_wait3A_207 = arith.constant 80 : i32
    %dma_wait3A_208 = tpu.memref_slice %arg6[%dma_wait3A_207] : memref<128xi32, #tpu.memory_space<vmem>> -> memref<16xi32, #tpu.memory_space<vmem>>
    %dma_wait3A_209 = arith.constant 0 : i32
    %dma_wait3A_210 = arith.constant 0 : i32
    %dma_wait3A_211 = tpu.memref_slice %arg4[%dma_wait3A_209, %dma_wait3A_210] : memref<60000x1024xf32, #tpu.memory_space<hbm>> -> memref<60000x1024xf32, #tpu.memory_space<hbm>>
    tpu.wait_indirect_dma semaphore(%arg12 : memref<!tpu.dma_semaphore, #tpu.memory_space<semaphore_mem>>) src(%dma_wait3A_211 : memref<60000x1024xf32, #tpu.memory_space<hbm>>) dst(%arg8 : memref<16x1024xf32, #tpu.memory_space<vmem>>)
    %dma_wait3A_212 = arith.constant 0 : i32
    %dma_wait3A_213 = tpu.memref_slice %arg2[%add3A_165, %dma_wait3A_212] : memref<4096x1024xf32, #tpu.memory_space<hbm>> -> memref<16x1024xf32, #tpu.memory_space<hbm>>
    %dma_wait3A_214 = arith.constant 0 : i32
    %dma_wait3A_215 = tpu.memref_slice %arg2[%add3A_165, %dma_wait3A_214] : memref<4096x1024xf32, #tpu.memory_space<hbm>> -> memref<16x1024xf32, #tpu.memory_space<hbm>>
    tpu.wait_dma2 semaphore(%arg14 : memref<!tpu.dma_semaphore, #tpu.memory_space<semaphore_mem>>) src(%dma_wait3A_215 : memref<16x1024xf32, #tpu.memory_space<hbm>>) dst(%arg10 : memref<16x1024xf32, #tpu.memory_space<vmem>>)
    %scan3A_216 = arith.constant 0 : i32
    %scan3A_217 = arith.constant 0 : i32
    %scan3A_218 = arith.constant 16 : i32
    %scan3A_219 = arith.addi %scan3A_217, %scan3A_218 : i32
    %scan3A_220 = arith.constant 1 : i32
    %scan3A_221 = scf.for %scan3A_296 = %scan3A_217 to %scan3A_219 step %scan3A_220 iter_args(%scan3A_297 = %scan3A_216) -> (i32)  : i32 {
      %scan3A_298 = arith.constant 0 : i32
      %scan3A_299 = arith.constant 0 : i32
      %scan3A_300 = arith.constant 64 : i32
      %scan3A_301 = arith.addi %scan3A_299, %scan3A_300 : i32
      %scan3A_302 = arith.constant 1 : i32
      %scan3A_303 = scf.for %scan3A_306 = %scan3A_299 to %scan3A_301 step %scan3A_302 iter_args(%scan3A_307 = %scan3A_298) -> (i32)  : i32 {
        %mul3A_308 = arith.constant 16 : i32
        %mul3A_309 = arith.muli %scan3A_306, %mul3A_308 : i32
        %add3A_310 = arith.constant 0 : i32
        %add3A_311 = arith.addi %add3A_310, %mul3A_309 : i32
        %get3A = arith.index_cast %scan3A_296 : i32 to index
        %get3A_312 = arith.index_cast %add3A_311 : i32 to index
        %get3A_313 = tpu.vector_load %arg10[%get3A, %get3A_312] {strides = array<i32>} : memref<16x1024xf32, #tpu.memory_space<vmem>>, vector<1x16xf32>,
        %get3A_314 = vector.shape_cast %get3A_313 : vector<1x16xf32> to vector<16xf32>
        %get3A_315 = arith.index_cast %scan3A_296 : i32 to index
        %get3A_316 = arith.index_cast %mul3A_309 : i32 to index
        %get3A_317 = tpu.vector_load %arg8[%get3A_315, %get3A_316] {strides = array<i32>} : memref<16x1024xf32, #tpu.memory_space<vmem>>, vector<1x16xf32>,
        %get3A_318 = vector.shape_cast %get3A_317 : vector<1x16xf32> to vector<16xf32>
        %mul3A_319 = arith.mulf %get3A_314, %get3A_318 : vector<16xf32>
        %add3A_320 = arith.constant 0 : i32
        %add3A_321 = arith.addi %add3A_320, %mul3A_309 : i32
        %swap3A = arith.index_cast %scan3A_296 : i32 to index
        %swap3A_322 = arith.index_cast %add3A_321 : i32 to index
        %swap3A_323 = tpu.vector_load %arg10[%swap3A, %swap3A_322] {strides = array<i32>} : memref<16x1024xf32, #tpu.memory_space<vmem>>, vector<1x16xf32>,
        %swap3A_324 = vector.shape_cast %swap3A_323 : vector<1x16xf32> to vector<16xf32>
        %swap3A_325 = vector.shape_cast %mul3A_319 : vector<16xf32> to vector<1x16xf32>
        tpu.vector_store %arg10[%swap3A, %swap3A_322], %swap3A_325 {strides = array<i32>} : memref<16x1024xf32, #tpu.memory_space<vmem>>, vector<1x16xf32>,
        %scan3A_326 = arith.constant 0 : i32
        scf.yield %scan3A_326 : i32
      }
      %scan3A_304 = arith.constant 64 : i32
      %scan3A_305 = arith.constant 0 : i32
      scf.yield %scan3A_305 : i32
    }
    %scan3A_222 = arith.constant 16 : i32
    %add3A_223 = arith.constant 80 : i32
    %add3A_224 = arith.addi %mul3A_2, %add3A_223 : i32
    %dma_start3A_225 = arith.constant 0 : i32
    %dma_start3A_226 = tpu.memref_slice %arg5[%add3A_224, %dma_start3A_225] : memref<4096x1024xf32, #tpu.memory_space<hbm>> -> memref<16x1024xf32, #tpu.memory_space<hbm>>
    %dma_start3A_227 = arith.constant 0 : i32
    %dma_start3A_228 = tpu.memref_slice %arg5[%add3A_224, %dma_start3A_227] : memref<4096x1024xf32, #tpu.memory_space<hbm>> -> memref<16x1024xf32, #tpu.memory_space<hbm>>
    tpu.enqueue_dma source(%arg10 : memref<16x1024xf32, #tpu.memory_space<vmem>>) target(%dma_start3A_228 : memref<16x1024xf32, #tpu.memory_space<hbm>>) target_semaphore(%arg16 : memref<!tpu.dma_semaphore, #tpu.memory_space<semaphore_mem>>)
    %dma_wait3A_229 = arith.constant 0 : i32
    %dma_wait3A_230 = tpu.memref_slice %arg5[%add3A_224, %dma_wait3A_229] : memref<4096x1024xf32, #tpu.memory_space<hbm>> -> memref<16x1024xf32, #tpu.memory_space<hbm>>
    %dma_wait3A_231 = arith.constant 0 : i32
    %dma_wait3A_232 = tpu.memref_slice %arg5[%add3A_224, %dma_wait3A_231] : memref<4096x1024xf32, #tpu.memory_space<hbm>> -> memref<16x1024xf32, #tpu.memory_space<hbm>>
    tpu.wait_dma2 semaphore(%arg16 : memref<!tpu.dma_semaphore, #tpu.memory_space<semaphore_mem>>) src(%arg10 : memref<16x1024xf32, #tpu.memory_space<vmem>>) dst(%dma_wait3A_232 : memref<16x1024xf32, #tpu.memory_space<hbm>>)
    %dma_start3A_233 = arith.constant 112 : i32
    %dma_start3A_234 = tpu.memref_slice %arg6[%dma_start3A_233] : memref<128xi32, #tpu.memory_space<vmem>> -> memref<16xi32, #tpu.memory_space<vmem>>
    %dma_start3A_235 = arith.constant 0 : i32
    %dma_start3A_236 = arith.constant 0 : i32
    %dma_start3A_237 = tpu.memref_slice %arg4[%dma_start3A_235, %dma_start3A_236] : memref<60000x1024xf32, #tpu.memory_space<hbm>> -> memref<60000x1024xf32, #tpu.memory_space<hbm>>
    tpu.enqueue_indirect_dma source(%dma_start3A_237 : memref<60000x1024xf32, #tpu.memory_space<hbm>>) target(%arg8 : memref<16x1024xf32, #tpu.memory_space<vmem>>) offsets(%dma_start3A_234 : memref<16xi32, #tpu.memory_space<vmem>>) semaphore(%arg12 : memref<!tpu.dma_semaphore, #tpu.memory_space<semaphore_mem>>)
    %add3A_238 = arith.constant 112 : i32
    %add3A_239 = arith.addi %mul3A_2, %add3A_238 : i32
    %dma_start3A_240 = arith.constant 0 : i32
    %dma_start3A_241 = tpu.memref_slice %arg2[%add3A_239, %dma_start3A_240] : memref<4096x1024xf32, #tpu.memory_space<hbm>> -> memref<16x1024xf32, #tpu.memory_space<hbm>>
    %dma_start3A_242 = arith.constant 0 : i32
    %dma_start3A_243 = tpu.memref_slice %arg2[%add3A_239, %dma_start3A_242] : memref<4096x1024xf32, #tpu.memory_space<hbm>> -> memref<16x1024xf32, #tpu.memory_space<hbm>>
    tpu.enqueue_dma source(%dma_start3A_243 : memref<16x1024xf32, #tpu.memory_space<hbm>>) target(%arg10 : memref<16x1024xf32, #tpu.memory_space<vmem>>) target_semaphore(%arg14 : memref<!tpu.dma_semaphore, #tpu.memory_space<semaphore_mem>>)
    %dma_wait3A_244 = arith.constant 96 : i32
    %dma_wait3A_245 = tpu.memref_slice %arg6[%dma_wait3A_244] : memref<128xi32, #tpu.memory_space<vmem>> -> memref<16xi32, #tpu.memory_space<vmem>>
    %dma_wait3A_246 = arith.constant 0 : i32
    %dma_wait3A_247 = arith.constant 0 : i32
    %dma_wait3A_248 = tpu.memref_slice %arg4[%dma_wait3A_246, %dma_wait3A_247] : memref<60000x1024xf32, #tpu.memory_space<hbm>> -> memref<60000x1024xf32, #tpu.memory_space<hbm>>
    tpu.wait_indirect_dma semaphore(%arg11 : memref<!tpu.dma_semaphore, #tpu.memory_space<semaphore_mem>>) src(%dma_wait3A_248 : memref<60000x1024xf32, #tpu.memory_space<hbm>>) dst(%arg7 : memref<16x1024xf32, #tpu.memory_space<vmem>>)
    %dma_wait3A_249 = arith.constant 0 : i32
    %dma_wait3A_250 = tpu.memref_slice %arg2[%add3A_202, %dma_wait3A_249] : memref<4096x1024xf32, #tpu.memory_space<hbm>> -> memref<16x1024xf32, #tpu.memory_space<hbm>>
    %dma_wait3A_251 = arith.constant 0 : i32
    %dma_wait3A_252 = tpu.memref_slice %arg2[%add3A_202, %dma_wait3A_251] : memref<4096x1024xf32, #tpu.memory_space<hbm>> -> memref<16x1024xf32, #tpu.memory_space<hbm>>
    tpu.wait_dma2 semaphore(%arg13 : memref<!tpu.dma_semaphore, #tpu.memory_space<semaphore_mem>>) src(%dma_wait3A_252 : memref<16x1024xf32, #tpu.memory_space<hbm>>) dst(%arg9 : memref<16x1024xf32, #tpu.memory_space<vmem>>)
    %scan3A_253 = arith.constant 0 : i32
    %scan3A_254 = arith.constant 0 : i32
    %scan3A_255 = arith.constant 16 : i32
    %scan3A_256 = arith.addi %scan3A_254, %scan3A_255 : i32
    %scan3A_257 = arith.constant 1 : i32
    %scan3A_258 = scf.for %scan3A_296 = %scan3A_254 to %scan3A_256 step %scan3A_257 iter_args(%scan3A_297 = %scan3A_253) -> (i32)  : i32 {
      %scan3A_298 = arith.constant 0 : i32
      %scan3A_299 = arith.constant 0 : i32
      %scan3A_300 = arith.constant 64 : i32
      %scan3A_301 = arith.addi %scan3A_299, %scan3A_300 : i32
      %scan3A_302 = arith.constant 1 : i32
      %scan3A_303 = scf.for %scan3A_306 = %scan3A_299 to %scan3A_301 step %scan3A_302 iter_args(%scan3A_307 = %scan3A_298) -> (i32)  : i32 {
        %mul3A_308 = arith.constant 16 : i32
        %mul3A_309 = arith.muli %scan3A_306, %mul3A_308 : i32
        %add3A_310 = arith.constant 0 : i32
        %add3A_311 = arith.addi %add3A_310, %mul3A_309 : i32
        %get3A = arith.index_cast %scan3A_296 : i32 to index
        %get3A_312 = arith.index_cast %add3A_311 : i32 to index
        %get3A_313 = tpu.vector_load %arg9[%get3A, %get3A_312] {strides = array<i32>} : memref<16x1024xf32, #tpu.memory_space<vmem>>, vector<1x16xf32>,
        %get3A_314 = vector.shape_cast %get3A_313 : vector<1x16xf32> to vector<16xf32>
        %get3A_315 = arith.index_cast %scan3A_296 : i32 to index
        %get3A_316 = arith.index_cast %mul3A_309 : i32 to index
        %get3A_317 = tpu.vector_load %arg7[%get3A_315, %get3A_316] {strides = array<i32>} : memref<16x1024xf32, #tpu.memory_space<vmem>>, vector<1x16xf32>,
        %get3A_318 = vector.shape_cast %get3A_317 : vector<1x16xf32> to vector<16xf32>
        %mul3A_319 = arith.mulf %get3A_314, %get3A_318 : vector<16xf32>
        %add3A_320 = arith.constant 0 : i32
        %add3A_321 = arith.addi %add3A_320, %mul3A_309 : i32
        %swap3A = arith.index_cast %scan3A_296 : i32 to index
        %swap3A_322 = arith.index_cast %add3A_321 : i32 to index
        %swap3A_323 = tpu.vector_load %arg9[%swap3A, %swap3A_322] {strides = array<i32>} : memref<16x1024xf32, #tpu.memory_space<vmem>>, vector<1x16xf32>,
        %swap3A_324 = vector.shape_cast %swap3A_323 : vector<1x16xf32> to vector<16xf32>
        %swap3A_325 = vector.shape_cast %mul3A_319 : vector<16xf32> to vector<1x16xf32>
        tpu.vector_store %arg9[%swap3A, %swap3A_322], %swap3A_325 {strides = array<i32>} : memref<16x1024xf32, #tpu.memory_space<vmem>>, vector<1x16xf32>,
        %scan3A_326 = arith.constant 0 : i32
        scf.yield %scan3A_326 : i32
      }
      %scan3A_304 = arith.constant 64 : i32
      %scan3A_305 = arith.constant 0 : i32
      scf.yield %scan3A_305 : i32
    }
    %scan3A_259 = arith.constant 16 : i32
    %add3A_260 = arith.constant 96 : i32
    %add3A_261 = arith.addi %mul3A_2, %add3A_260 : i32
    %dma_start3A_262 = arith.constant 0 : i32
    %dma_start3A_263 = tpu.memref_slice %arg5[%add3A_261, %dma_start3A_262] : memref<4096x1024xf32, #tpu.memory_space<hbm>> -> memref<16x1024xf32, #tpu.memory_space<hbm>>
    %dma_start3A_264 = arith.constant 0 : i32
    %dma_start3A_265 = tpu.memref_slice %arg5[%add3A_261, %dma_start3A_264] : memref<4096x1024xf32, #tpu.memory_space<hbm>> -> memref<16x1024xf32, #tpu.memory_space<hbm>>
    tpu.enqueue_dma source(%arg9 : memref<16x1024xf32, #tpu.memory_space<vmem>>) target(%dma_start3A_265 : memref<16x1024xf32, #tpu.memory_space<hbm>>) target_semaphore(%arg15 : memref<!tpu.dma_semaphore, #tpu.memory_space<semaphore_mem>>)
    %dma_wait3A_266 = arith.constant 112 : i32
    %dma_wait3A_267 = tpu.memref_slice %arg6[%dma_wait3A_266] : memref<128xi32, #tpu.memory_space<vmem>> -> memref<16xi32, #tpu.memory_space<vmem>>
    %dma_wait3A_268 = arith.constant 0 : i32
    %dma_wait3A_269 = arith.constant 0 : i32
    %dma_wait3A_270 = tpu.memref_slice %arg4[%dma_wait3A_268, %dma_wait3A_269] : memref<60000x1024xf32, #tpu.memory_space<hbm>> -> memref<60000x1024xf32, #tpu.memory_space<hbm>>
    tpu.wait_indirect_dma semaphore(%arg12 : memref<!tpu.dma_semaphore, #tpu.memory_space<semaphore_mem>>) src(%dma_wait3A_270 : memref<60000x1024xf32, #tpu.memory_space<hbm>>) dst(%arg8 : memref<16x1024xf32, #tpu.memory_space<vmem>>)
    %dma_wait3A_271 = arith.constant 0 : i32
    %dma_wait3A_272 = tpu.memref_slice %arg2[%add3A_239, %dma_wait3A_271] : memref<4096x1024xf32, #tpu.memory_space<hbm>> -> memref<16x1024xf32, #tpu.memory_space<hbm>>
    %dma_wait3A_273 = arith.constant 0 : i32
    %dma_wait3A_274 = tpu.memref_slice %arg2[%add3A_239, %dma_wait3A_273] : memref<4096x1024xf32, #tpu.memory_space<hbm>> -> memref<16x1024xf32, #tpu.memory_space<hbm>>
    tpu.wait_dma2 semaphore(%arg14 : memref<!tpu.dma_semaphore, #tpu.memory_space<semaphore_mem>>) src(%dma_wait3A_274 : memref<16x1024xf32, #tpu.memory_space<hbm>>) dst(%arg10 : memref<16x1024xf32, #tpu.memory_space<vmem>>)
    %scan3A_275 = arith.constant 0 : i32
    %scan3A_276 = arith.constant 0 : i32
    %scan3A_277 = arith.constant 16 : i32
    %scan3A_278 = arith.addi %scan3A_276, %scan3A_277 : i32
    %scan3A_279 = arith.constant 1 : i32
    %scan3A_280 = scf.for %scan3A_296 = %scan3A_276 to %scan3A_278 step %scan3A_279 iter_args(%scan3A_297 = %scan3A_275) -> (i32)  : i32 {
      %scan3A_298 = arith.constant 0 : i32
      %scan3A_299 = arith.constant 0 : i32
      %scan3A_300 = arith.constant 64 : i32
      %scan3A_301 = arith.addi %scan3A_299, %scan3A_300 : i32
      %scan3A_302 = arith.constant 1 : i32
      %scan3A_303 = scf.for %scan3A_306 = %scan3A_299 to %scan3A_301 step %scan3A_302 iter_args(%scan3A_307 = %scan3A_298) -> (i32)  : i32 {
        %mul3A_308 = arith.constant 16 : i32
        %mul3A_309 = arith.muli %scan3A_306, %mul3A_308 : i32
        %add3A_310 = arith.constant 0 : i32
        %add3A_311 = arith.addi %add3A_310, %mul3A_309 : i32
        %get3A = arith.index_cast %scan3A_296 : i32 to index
        %get3A_312 = arith.index_cast %add3A_311 : i32 to index
        %get3A_313 = tpu.vector_load %arg10[%get3A, %get3A_312] {strides = array<i32>} : memref<16x1024xf32, #tpu.memory_space<vmem>>, vector<1x16xf32>,
        %get3A_314 = vector.shape_cast %get3A_313 : vector<1x16xf32> to vector<16xf32>
        %get3A_315 = arith.index_cast %scan3A_296 : i32 to index
        %get3A_316 = arith.index_cast %mul3A_309 : i32 to index
        %get3A_317 = tpu.vector_load %arg8[%get3A_315, %get3A_316] {strides = array<i32>} : memref<16x1024xf32, #tpu.memory_space<vmem>>, vector<1x16xf32>,
        %get3A_318 = vector.shape_cast %get3A_317 : vector<1x16xf32> to vector<16xf32>
        %mul3A_319 = arith.mulf %get3A_314, %get3A_318 : vector<16xf32>
        %add3A_320 = arith.constant 0 : i32
        %add3A_321 = arith.addi %add3A_320, %mul3A_309 : i32
        %swap3A = arith.index_cast %scan3A_296 : i32 to index
        %swap3A_322 = arith.index_cast %add3A_321 : i32 to index
        %swap3A_323 = tpu.vector_load %arg10[%swap3A, %swap3A_322] {strides = array<i32>} : memref<16x1024xf32, #tpu.memory_space<vmem>>, vector<1x16xf32>,
        %swap3A_324 = vector.shape_cast %swap3A_323 : vector<1x16xf32> to vector<16xf32>
        %swap3A_325 = vector.shape_cast %mul3A_319 : vector<16xf32> to vector<1x16xf32>
        tpu.vector_store %arg10[%swap3A, %swap3A_322], %swap3A_325 {strides = array<i32>} : memref<16x1024xf32, #tpu.memory_space<vmem>>, vector<1x16xf32>,
        %scan3A_326 = arith.constant 0 : i32
        scf.yield %scan3A_326 : i32
      }
      %scan3A_304 = arith.constant 64 : i32
      %scan3A_305 = arith.constant 0 : i32
      scf.yield %scan3A_305 : i32
    }
    %scan3A_281 = arith.constant 16 : i32
    %add3A_282 = arith.constant 112 : i32
    %add3A_283 = arith.addi %mul3A_2, %add3A_282 : i32
    %dma_start3A_284 = arith.constant 0 : i32
    %dma_start3A_285 = tpu.memref_slice %arg5[%add3A_283, %dma_start3A_284] : memref<4096x1024xf32, #tpu.memory_space<hbm>> -> memref<16x1024xf32, #tpu.memory_space<hbm>>
    %dma_start3A_286 = arith.constant 0 : i32
    %dma_start3A_287 = tpu.memref_slice %arg5[%add3A_283, %dma_start3A_286] : memref<4096x1024xf32, #tpu.memory_space<hbm>> -> memref<16x1024xf32, #tpu.memory_space<hbm>>
    tpu.enqueue_dma source(%arg10 : memref<16x1024xf32, #tpu.memory_space<vmem>>) target(%dma_start3A_287 : memref<16x1024xf32, #tpu.memory_space<hbm>>) target_semaphore(%arg16 : memref<!tpu.dma_semaphore, #tpu.memory_space<semaphore_mem>>)
    %dma_wait3A_288 = arith.constant 0 : i32
    %dma_wait3A_289 = tpu.memref_slice %arg5[%add3A_261, %dma_wait3A_288] : memref<4096x1024xf32, #tpu.memory_space<hbm>> -> memref<16x1024xf32, #tpu.memory_space<hbm>>
    %dma_wait3A_290 = arith.constant 0 : i32
    %dma_wait3A_291 = tpu.memref_slice %arg5[%add3A_261, %dma_wait3A_290] : memref<4096x1024xf32, #tpu.memory_space<hbm>> -> memref<16x1024xf32, #tpu.memory_space<hbm>>
    tpu.wait_dma2 semaphore(%arg15 : memref<!tpu.dma_semaphore, #tpu.memory_space<semaphore_mem>>) src(%arg9 : memref<16x1024xf32, #tpu.memory_space<vmem>>) dst(%dma_wait3A_291 : memref<16x1024xf32, #tpu.memory_space<hbm>>)
    %dma_wait3A_292 = arith.constant 0 : i32
    %dma_wait3A_293 = tpu.memref_slice %arg5[%add3A_283, %dma_wait3A_292] : memref<4096x1024xf32, #tpu.memory_space<hbm>> -> memref<16x1024xf32, #tpu.memory_space<hbm>>
    %dma_wait3A_294 = arith.constant 0 : i32
    %dma_wait3A_295 = tpu.memref_slice %arg5[%add3A_283, %dma_wait3A_294] : memref<4096x1024xf32, #tpu.memory_space<hbm>> -> memref<16x1024xf32, #tpu.memory_space<hbm>>
    tpu.wait_dma2 semaphore(%arg16 : memref<!tpu.dma_semaphore, #tpu.memory_space<semaphore_mem>>) src(%arg10 : memref<16x1024xf32, #tpu.memory_space<vmem>>) dst(%dma_wait3A_295 : memref<16x1024xf32, #tpu.memory_space<hbm>>)
    return
  }
}

</mosaic_0001>

<sc_bundles>
// kernel: kernel.3.cloned.1.call-start
scs
__scs_entry_jumppad:
0x0: {  	(pc) =	sbr.rel $0x88, $3  }
0x1: {  	(tag) =	ssettag $0x0;
	lr =	simm.s32 $0x1  }
0x2: {  	[smem:$0x3F9E] =	sst lr;
	_ =	strace $0xD0000000  }
0x3: {  	_ = 	snop  }
0x4: {  	_ = 	snop  }
0x5: {  	_ = 	snop  }
0x6: {  	_ = 	snop  }
0x7: {  	_ = 	snop  }
__scs_overlays_trampoline_lowered:
0x8: {  	[smem:$0x3FAD] =	sst s0  }
0x9: {  	[smem:$0x3FAE] =	sst s1  }
0xa: {  	[smem:$0x3FAF] =	sst s2  }
0xb: {  	[smem:$0x3FB0] =	sst s3  }
0xc: {  	[smem:$0x3FB1] =	sst s4  }
0xd: {  	[smem:$0x3FB2] =	sst s5  }
0xe: {  	[smem:$0x3FB3] =	sst s6  }
0xf: {  	[smem:$0x3FB4] =	sst s7  }
0x10: {  	[smem:$0x3FB5] =	sst s8  }
0x11: {  	[smem:$0x3FB6] =	sst s9;
	s0 =	simm.s32 @!p0 $0x0  }
0x12: {  	s1 =	sld [smem:$0x3F9C];
	s0 =	simm.s32 @p0 $0x1  }
0x13: {  	[smem:$0x3FB7] =	sst s0;
	s0 =	simm.s32 @!p1 $0x0  }
0x14: {  	s2 =	sld [smem:$0x3F9B];
	s0 =	simm.s32 @p1 $0x1  }
0x15: {  	[smem:$0x3FB8] =	sst s0;
	s0 =	simm.s32 @!p2 $0x0  }
0x16: {  	s3 =	sld [smem:$0x3FDB];
	s0 =	simm.s32 @p2 $0x1  }
0x17: {  	s4 =	simm.s32 $0x1BF5;
	[smem:$0x3FBA] =	sst s0  }
0x18: {  	s0 =	sld [smem:$0x3F9D];
	_ =	swait.ge [sflag:s4], $0x0  }
0x19: {  	s7 =	sld [smem:$0x3F9E]  }
0x1a: {  	s8 =	sadd.s32 $0xFFFFE003, lr  }
0x1b: {  	s9 =	sadd.s32 $0xFFFFFEF7, lr;
	s5 =	simm.s32 $0xFFFFFFFF;
	p2 =	slt.u32 s8, $0xFFFFF086  }
0x1c: {  	p1 =	slt.u32 s9, $0xF7A;
	s5 =	simm.s32 @!p2 $0x0  }
0x1d: {  	s5 =	simm.s32 @p1 $0x1;
	p0 =	seq.s32 s7, s2  }
0x1e: {  	s7 =	smul.u32 @!p0 $0xF7A, s2;
	p2 =	seq.s32 @!p0 s5, $0x0  }
0x1f: {  	s9 =	smul.u32 $0xF7A, s1;
	s8 =	simm.s32 @!p0 $0x1BF5;
	p2 =	por !p2, p0  }
0x20: {  	[sflag:s8] =	ssyncset.s32 @!p0 $0xFFFFF086;
	s6 =	sadd.s32 @!p0 s3, s7;
	s7 =	simm.s32 @!p0 $0x108  }
0x21: {  	s3 =	sadd.s32 s3, s9;
	s6 =	sadd.s32 @!p0 $0x88, s6;
	s7 =	simm.s32 @p2 $0x1082  }
0x22: {  	[simem:s7], [sflag:s8] =	dma.local @!p0 [hbm:s6], $0xF7A  }
0x23: {  	s9 =	sor.u32 $0xD0000000, s2;
	s6 =	simm.s32 $0x108;
	_ =	swait.ge @!p0 [sflag:s8], $0x0  }
0x24: {  	s3 =	sadd.s32 $0x88, s3;
	s6 =	simm.s32 @!p1 $0x1082;
	[sflag:s4] =	ssyncset.s32 $0xFFFFF086  }
0x25: {  	[simem:s6], [sflag:s4] =	dma.local [hbm:s3], $0xF7A  }
0x26: {  	[smem:$0x3F9E] =	sst s1;
	(tag) =	ssettag s2;
	_ =	strace s9  }
0x27: {  	s1 =	sld [smem:$0x3FAE]  }
0x28: {  	s2 =	sld [smem:$0x3FAF]  }
0x29: {  	s4 =	sld [smem:$0x3FB1]  }
0x2a: {  	p0 =	seq.s32 s5, $0x0;
	s5 =	sld [smem:$0x3FB2]  }
0x2b: {  	s6 =	sld [smem:$0x3FB3]  }
0x2c: {  	s7 =	sld [smem:$0x3FB4]  }
0x2d: {  	s3 =	simm.s32 $0x108;
	s8 =	sld [smem:$0x3FB5]  }
0x2e: {  	s3 =	simm.s32 @!p0 $0x1082;
	s9 =	sld [smem:$0x3FB6]  }
0x2f: {  	lr =	sadd.s32 s0, s3;
	s0 =	sld [smem:$0x3FAD]  }
0x30: {  	s3 =	sld [smem:$0x3FB0]  }
0x31: {  	[smem:$0x3FB9] =	sst s10  }
0x32: {  	s10 =	sld [smem:$0x3FB7];
	_ =	sdelay $0x3  }
0x33: {  	p0 =	seq.s32 s10, $0x1;
	s10 =	sld [smem:$0x3FB9];
	_ =	sdelay $0x3  }
0x34: {  	[smem:$0x3FB9] =	sst s10  }
0x35: {  	s10 =	sld [smem:$0x3FB8];
	_ =	sdelay $0x3  }
0x36: {  	p1 =	seq.s32 s10, $0x1;
	s10 =	sld [smem:$0x3FB9];
	_ =	sdelay $0x3  }
0x37: {  	[smem:$0x3FB9] =	sst s10  }
0x38: {  	s10 =	sld [smem:$0x3FBA]  }
0x39: {  	_ = 	snop;
	(pc) =	sbr.ind lr, $3  }
0x3a: {  	_ = 	snop  }
0x3b: {  	_ = 	snop  }
0x3c: {  	p2 =	seq.s32 s10, $0x1;
	s10 =	sld [smem:$0x3FB9]  }
0x3d: {  	_ =	shalt  }
0x3e: {  	_ =	shalt  }
0x3f: {  	_ =	shalt  }
0x40: {  	_ =	shalt  }
0x41: {  	_ =	shalt  }
0x42: {  	_ =	shalt  }
0x43: {  	_ =	shalt  }
0x44: {  	_ =	shalt  }
0x45: {  	_ =	shalt  }
0x46: {  	_ =	shalt  }
0x47: {  	_ =	shalt  }
0x48: {  	_ =	shalt  }
0x49: {  	_ =	shalt  }
0x4a: {  	_ =	shalt  }
0x4b: {  	_ =	shalt  }
0x4c: {  	_ =	shalt  }
0x4d: {  	_ =	shalt  }
0x4e: {  	_ =	shalt  }
0x4f: {  	_ =	shalt  }
0x50: {  	_ =	shalt  }
0x51: {  	_ =	shalt  }
0x52: {  	_ =	shalt  }
0x53: {  	_ =	shalt  }
0x54: {  	_ =	shalt  }
0x55: {  	_ =	shalt  }
0x56: {  	_ =	shalt  }
0x57: {  	_ =	shalt  }
0x58: {  	_ =	shalt  }
0x59: {  	_ =	shalt  }
0x5a: {  	_ =	shalt  }
0x5b: {  	_ =	shalt  }
0x5c: {  	_ =	shalt  }
0x5d: {  	_ =	shalt  }
0x5e: {  	_ =	shalt  }
0x5f: {  	_ =	shalt  }
0x60: {  	_ =	shalt  }
0x61: {  	_ =	shalt  }
0x62: {  	_ =	shalt  }
0x63: {  	_ =	shalt  }
0x64: {  	_ =	shalt  }
0x65: {  	_ =	shalt  }
0x66: {  	_ =	shalt  }
0x67: {  	_ =	shalt  }
0x68: {  	_ =	shalt  }
0x69: {  	_ =	shalt  }
0x6a: {  	_ =	shalt  }
0x6b: {  	_ =	shalt  }
0x6c: {  	_ =	shalt  }
0x6d: {  	_ =	shalt  }
0x6e: {  	_ =	shalt  }
0x6f: {  	_ =	shalt  }
0x70: {  	_ =	shalt  }
0x71: {  	_ =	shalt  }
0x72: {  	_ =	shalt  }
0x73: {  	_ =	shalt  }
0x74: {  	_ =	shalt  }
0x75: {  	_ =	shalt  }
0x76: {  	_ =	shalt  }
0x77: {  	_ =	shalt  }
0x78: {  	_ =	shalt  }
0x79: {  	_ =	shalt  }
0x7a: {  	_ =	shalt  }
0x7b: {  	_ =	shalt  }
0x7c: {  	_ =	shalt  }
0x7d: {  	_ =	shalt  }
0x7e: {  	_ =	shalt  }
0x7f: {  	_ =	shalt  }
0x80: {  	_ =	shalt  }
0x81: {  	_ =	shalt  }
0x82: {  	_ =	shalt  }
0x83: {  	_ =	shalt  }
0x84: {  	_ =	shalt  }
0x85: {  	_ =	shalt  }
0x86: {  	_ =	shalt  }
0x87: {  	_ =	shalt  }
.Lfunc_end0:
.L_simem_size_0:
called_computation.2_lowered:
.L_overlay_start_0:
0x88: {  	s2 =	sld [smem:$0x3FD9]  }
0x89: {  	s3 =	sld [smem:$0x3FFE];
	_ =	sdelay $0x1  }
0x8a: {  	s1 =	srdreg.scid  }
0x8b: {  	s0 =	sand.u32 $0x1, s1  }
0x8c: {  	s17 =	sshll.u32 s0, $0xA;
	s2 =	sadd.s32 s3, s2  }
0x8d: {  	s2 =	sadd.s32 s2, s17  }
0x8e: {  	[smem:$0x3FC5] =	sst s2  }
0x8f: {  	_ = 	snop  }
0x90: {  	s2 =	sld [smem:$0x3FC8]  }
0x91: {  	s18 =	sld [smem:$0x3FD0];
	(tm) =	ssettm $0x1  }
0x92: {  	s4 =	sld [smem:$0x3FFB];
	_ =	sdelay $0x3  }
0x93: {  	_ =	strace s4  }
0x94: {  	s4 =	sld [smem:$0x3FFC];
	_ =	sdelay $0x3  }
0x95: {  	_ =	strace s4  }
0x96: {  	s4 =	sld [smem:$0x3FFD];
	_ =	sdelay $0x3  }
0x97: {  	_ =	strace s4  }
0x98: {  	_ =	strace $0x8FFFFFFF  }
0x99: {  	s19 =	sld [smem:$0x3FDB];
	_ =	sdelay $0x1  }
0x9a: {  	s5 =	simm.s32 $_scs_section_size  }
0x9b: {  	s6 =	simm.s32 $_size__tile_overlayer_lowered;
	s7 =	simm.s32 $_tile_overlayer_lowered  }
0x9c: {  	s22 =	simm.s32 $0x1BFF;
	s21 =	sshll.u32 s7, $0x1;
	s4 =	sadd.s32 s5, s19  }
0x9d: {  	s8 =	simm.s32 $0x0;
	s20 =	sshll.u32 s6, $0x1;
	s6 =	sadd.s32 s21, s4  }
0x9e: {  	[timem:s8], [sflag:s22] =	dma.local [hbm:s6], s20  }
0x9f: {  	_ =	swait.ge [sflag:s22], s20  }
0xa0: {  	s5 =	ssub.s32 $0x0, s20;
	[sflag:s22] =	ssyncset.done $0x0  }
0xa1: {  	[sflag:s22] =	ssyncadd.s32 s5;
	_ =	sdelay $0x1  }
0xa2: {  	s23 =	simm.s32 $0x1B8B  }
0xa3: {  	_ =	swait.ge [sflag:s23], $0x1  }
0xa4: {  	[sflag:s23] =	ssyncset.done $0x0  }
0xa5: {  	s25 =	simm.s32 $0x1B8E;
	s24 =	sld [smem:$0x3FFE];
	[sflag:s23] =	ssyncadd.s32 $0xFFFFFFFF  }
0xa6: {  	s26 =	simm.s32 $execute0_lowered;
	[smem:$0x3FD2] =	sst s25  }
0xa7: {  	s6 =	sshll.u32 s26, $0x1;
	_ =	strace $0x8000004C;
	[dreg:$0x1] =	wrdreg $0xFFFFFFFF  }
0xa8: {  	s28 =	simm.s32 $_size_execute0_lowered;
	s4 =	sadd.s32 s4, s6;
	[dreg:$0x0] =	wrdreg $0x0  }
0xa9: {  	s6 =	sshll.u32 s28, $0x1;
	[dreg:$0x2] =	wrdreg s4  }
0xaa: {  	[dreg:$0x3] =	wrdreg s6  }
0xab: {  	[dreg:$0x4] =	wrdreg $0xC0  }
0xac: {  	_ =	task [dreg:s8], $0x5FFFF  }
0xad: {  	[dreg:$0x1] =	wrdreg $0xFFFFFFFF  }
0xae: {  	[dreg:$0x0] =	wrdreg $0x60  }
0xaf: {  	[dreg:$0x2] =	wrdreg s18  }
0xb0: {  	[dreg:$0x3] =	wrdreg s2  }
0xb1: {  	[dreg:$0x4] =	wrdreg s24  }
0xb2: {  	[dreg:$0x5] =	wrdreg $0x9  }
0xb3: {  	_ =	task.clear_ibuf [dreg:s8], $0x6FFFF;
	_ =	strace $0x9000004C  }
0xb4: {  	s29 =	simm.s32 $0x9;
	_ =	strace $0x8000004E  }
0xb5: {  	_ =	swait.ge [sflag:s29], $0x1  }
0xb6: {  	[sflag:s29] =	ssyncadd.s32 $0xFFFFFFFF  }
0xb7: {  	_ =	strace $0x9000004E  }
0xb8: {  	_ =	sfence  }
0xb9: {  	s30 =	sld [smem:$0x0];
	_ =	sdelay $0x2  }
0xba: {  	s31 =	sshll.u32 s1, $0xD;
	s1 =	sshrl.u32 s1, $0x2  }
0xbb: {  	s3 =	sand.u32 $0x4000, s31;
	s1 =	sadd.s32 s1, s30  }
0xbc: {  	s0 =	sor.u32 s3, s0;
	s1 =	sshll.u32 s1, $0x11  }
0xbd: {  	s0 =	sor.u32 s1, s0  }
0xbe: {  	s0 =	sadd.s32 $0x8F2B, s0  }
0xbf: {  	[sflag:s0] =	ssyncadd.remote.s32 $0x1  }
0xc0: {  	_ =	sfence.sel $0xFFFF  }
0xc1: {  	[dreg:$0x0] =	wrdreg $0xFFFFFFFF;
	(pc) =	sbr.abs _section_cstart, $3  }
0xc2: {  	[dreg:$0x1] =	wrdreg $0xFFFFFFFF  }
0xc3: {  	_ =	task.clear_ibuf [dreg:s8], $0x2FFFF;
	_ =	strace $0x9FFFFFFF  }
0xc4: {  	(tm) =	ssettm $0x7FFFFFFF  }
0xc5: {  	_ =	shalt  }
tec
execute0_lowered:
.L_overlay_start_1:
0x0: {  	(tag) =	ssettag $0x1  }
0x1: {  	s0 =	rddreg [dreg:$0x0]  }
0x2: {  	s1 =	rddreg [dreg:$0x1]  }
0x3: {  	s4 =	rddreg [dreg:$0x2];
	s2 =	simm.s32 $0x0  }
0x4: {  	s3 =	srdreg.scid;
	s6 =	stileid.u32;
	s28 =	simm.s32 $0x3  }
0x5: {  	s29 =	simm.s32 $0x8080;
	s30 =	simm.s32 $0x5;
	s31 =	simm.s32 $0x4  }
0x6: {  	[smem:$0x7FF] =	sst s2;
	s5 =	sand.u32 $0x1, s3;
	s3 =	sadd.s32 $0xE00, s4  }
0x7: {  	s6 =	sshll.u32 s6, $0x8;
	s4 =	sadd.s32 $0x753E00, s4;
	s7 =	sshll.u32 s5, $0x7  }
0x8: {  	_ =	strace $0x8000004D;
	s5 =	ssub.s32 $0x2, s5;
	s6 =	sor.u32 s7, s6  }
0x9: {  	s14 =	sshrl.u32 s5, $0x1;
	s8 =	sshrl.u32 s6, $0x3;
	s6 =	sshll.u32 s6, $0x7  }
0xa: {  	s5 =	ssub.s32 s5, s14;
	s1 =	sadd.s32 s1, s8;
	s15 =	sor.u32 $0x800, s6  }
0xb: {  	s16 =	sadd.s32 s0, s6;
	s18 =	sor.u32 $0x1000, s6;
	s19 =	sadd.s32 s4, s6  }
0xc: {  	s21 =	sor.u32 $0x1800, s6;
	s23 =	sor.u32 $0x2000, s6;
	[dreg:$0x4] =	wrdreg s1  }
0xd: {  	s24 =	sor.u32 $0x2800, s6;
	s25 =	sor.u32 $0x3000, s6;
	[dreg:$0x5] =	wrdreg s16  }
0xe: {  	s26 =	sor.u32 $0x3800, s6;
	s17 =	sadd.s32 s0, s15;
	[dreg:$0x7] =	wrdreg s19  }
0xf: {  	s20 =	sadd.s32 s0, s18;
	s1 =	sadd.s32 s4, s15;
	s22 =	sadd.s32 s0, s21  }
0x10: {  	s11 =	sadd.s32 s4, s18;
	s12 =	sadd.s32 s0, s23;
	s13 =	sadd.s32 s4, s21  }
0x11: {  	s14 =	sadd.s32 s0, s24;
	s15 =	sadd.s32 s4, s23;
	s16 =	sadd.s32 s0, s25  }
0x12: {  	s18 =	sadd.s32 s0, s26;
	s19 =	sadd.s32 s4, s25;
	[dreg:$0x6] =	wrdreg s17  }
0x13: {  	s21 =	smax.u32 s5, $0x1;
	s23 =	simm.s32 $0x10;
	[dreg:$0x8] =	wrdreg s20  }
0x14: {  	s25 =	simm.s32 $0xC080;
	s0 =	simm.s32 $0x80;
	[dreg:$0x9] =	wrdreg s1  }
0x15: {  	s5 =	simm.s32 $0x0;
	[dreg:$0xa] =	wrdreg s22;
	s17 =	sadd.s32 s4, s24  }
0x16: {  	s20 =	sadd.s32 s4, s26;
	s22 =	simm.s32 $0x7;
	s24 =	simm.s32 $0x4080  }
0x17: {  	s26 =	simm.s32 $0x1;
	s1 =	simm.s32 $0x2;
	s4 =	simm.s32 $0x6  }
.LBB2_1:
0x18: {  	s6 =	rddreg [dreg:$0x4]  }
0x19: {  	[tilespmem:s2], [sflag:$0x7] =	stream.linear.gather [hbm4b:s6+s2], $0x80, $0x38;
	[tilespmem:$0x10080] =	vst v63  }
0x1a: {  	_ =	swait.ge [sflag:s22], $0x80  }
0x1b: {  	[sflag:s22] =	ssyncset.done $0x0  }
0x1c: {  	[sflag:s22] =	ssyncadd.s32 $0xFFFFFF80  }
0x1d: {  	[tilespmem:s0], [sflag:$0x1] =	stream.indirect.gather [hbm4b:s3+s23], $0x400, s2, s23, $0xb8;
	[tilespmem:$0x10080] =	vst v63  }
0x1e: {  	s9 =	rddreg [dreg:$0x5]  }
0x1f: {  	[tilespmem:s29], [sflag:$0x3] =	stream.linear.gather [hbm4b:s9+s2], $0x4000, $0x38;
	[tilespmem:$0x10080] =	vst v63  }
0x20: {  	_ = 	snop  }
0x21: {  	[tilespmem:s24], [sflag:$0x2] =	stream.indirect.gather [hbm4b:s3+s23], $0x400, s23, s23, $0xb8;
	[tilespmem:$0x10080] =	vst v63  }
0x22: {  	s10 =	rddreg [dreg:$0x6]  }
0x23: {  	[tilespmem:s25], [sflag:$0x4] =	stream.linear.gather [hbm4b:s10+s2], $0x4000, $0x38;
	[tilespmem:$0x10080] =	vst v63  }
0x24: {  	_ =	swait.ge [sflag:s26], $0x4000  }
0x25: {  	[sflag:s26] =	ssyncset.done $0x0  }
0x26: {  	[sflag:s26] =	ssyncadd.s32 $0xFFFFC000  }
0x27: {  	_ =	swait.ge [sflag:s28], $0x4000  }
0x28: {  	s7 =	simm.s32 $0x8080;
	[sflag:s28] =	ssyncset.done $0x0  }
0x29: {  	s8 =	simm.s32 $0x0;
	s6 =	simm.s32 $0x80;
	[sflag:s28] =	ssyncadd.s32 $0xFFFFC000  }
.LBB2_2:
0x2a: {  	v1 =	vmov s6  }
0x2b: {  	v0 =	vmov s7;
	_ =	sdelay $0x2  }
0x2c: {  	s9 =	simm.s32 $0x0  }
0x2d: {  	s10 =	simm.s32 $0x40;
	v2 =	vld.idx.msk [tilespmem:v1+s9+$0x0 ss:$0x1], $0xffff  }
.LBB2_3:
0x2e: {  	p0 =	sne.s32 s10, $0xFC0;
	v3 =	vld.idx.msk [tilespmem:v0+s9+$0x0 ss:$0x1], $0xffff;
	_ =	sdelay $0x4  }
.Ltmp0:
0x2f: {  	(pc) =	sbr.rel @p0 .LBB2_3-.Ltmp0, $3  }
0x30: {  	v2 =	vmul.f32 v2, v3;
	_ =	sdelay $0x1  }
0x31: {  	[tilespmem:v0+s9+$0x0 ss:$0x1] =	vst.idx.msk $0xffff, v2;
	s9 =	sshra.s32 s10, $0x2  }
0x32: {  	s10 =	sadd.s32 $0x40, s10;
	v2 =	vld.idx.msk [tilespmem:v1+s9+$0x0 ss:$0x1], $0xffff  }
0x33: {  	_ =	sdelay $0x3  }
0x34: {  	v1 =	vld.idx.msk [tilespmem:v0+s9+$0x0 ss:$0x1], $0xffff  }
0x35: {  	s8 =	sadd.s32 $0x1, s8  }
0x36: {  	p0 =	sne.s32 s8, $0x10  }
.Ltmp1:
0x37: {  	_ = 	snop;
	(pc) =	sbr.rel @p0 .LBB2_2-.Ltmp1, $3  }
0x38: {  	_ = 	snop  }
0x39: {  	v1 =	vmul.f32 v2, v1;
	_ =	sdelay $0x1  }
0x3a: {  	s7 =	sadd.s32 $0x400, s7;
	s6 =	sadd.s32 $0x400, s6;
	[tilespmem:v0+s9+$0x0 ss:$0x1] =	vst.idx.msk $0xffff, v1  }
0x3b: {  	s6 =	simm.s32 $0x0;
	s7 =	rddreg [dreg:$0x7]  }
0x3c: {  	[hbm4b:s7+s6] =	stream.linear.scatter [tilespmem:s29], [sflag:$0x5], $0x4000, $0x38;
	[tilespmem:$0x10080] =	vst v63  }
0x3d: {  	_ =	swait.ge [sflag:s30], $0x4000  }
0x3e: {  	[sflag:s30] =	ssyncset.done $0x0  }
0x3f: {  	s9 =	simm.s32 $0x20;
	[sflag:s30] =	ssyncadd.s32 $0xFFFFC000  }
0x40: {  	[tilespmem:s0], [sflag:$0x1] =	stream.indirect.gather [hbm4b:s3+s23], $0x400, s9, s23, $0xb8;
	[tilespmem:$0x10080] =	vst v63  }
0x41: {  	s10 =	rddreg [dreg:$0x8]  }
0x42: {  	[tilespmem:s29], [sflag:$0x3] =	stream.linear.gather [hbm4b:s10+s6], $0x4000, $0x38;
	[tilespmem:$0x10080] =	vst v63  }
0x43: {  	_ =	swait.ge [sflag:s1], $0x4000  }
0x44: {  	[sflag:s1] =	ssyncset.done $0x0  }
0x45: {  	[sflag:s1] =	ssyncadd.s32 $0xFFFFC000  }
0x46: {  	_ =	swait.ge [sflag:s31], $0x4000  }
0x47: {  	[sflag:s31] =	ssyncset.done $0x0  }
0x48: {  	s8 =	simm.s32 $0x4080;
	s7 =	simm.s32 $0xC080;
	[sflag:s31] =	ssyncadd.s32 $0xFFFFC000  }
.LBB2_6:
0x49: {  	v1 =	vmov s8  }
0x4a: {  	v0 =	vmov s7;
	_ =	sdelay $0x2  }
0x4b: {  	s9 =	simm.s32 $0x0  }
0x4c: {  	s10 =	simm.s32 $0x40;
	v2 =	vld.idx.msk [tilespmem:v1+s9+$0x0 ss:$0x1], $0xffff  }
.LBB2_7:
0x4d: {  	p0 =	sne.s32 s10, $0xFC0;
	v3 =	vld.idx.msk [tilespmem:v0+s9+$0x0 ss:$0x1], $0xffff;
	_ =	sdelay $0x4  }
.Ltmp2:
0x4e: {  	(pc) =	sbr.rel @p0 .LBB2_7-.Ltmp2, $3  }
0x4f: {  	v2 =	vmul.f32 v2, v3;
	_ =	sdelay $0x1  }
0x50: {  	[tilespmem:v0+s9+$0x0 ss:$0x1] =	vst.idx.msk $0xffff, v2;
	s9 =	sshra.s32 s10, $0x2  }
0x51: {  	s10 =	sadd.s32 $0x40, s10;
	v2 =	vld.idx.msk [tilespmem:v1+s9+$0x0 ss:$0x1], $0xffff  }
0x52: {  	_ =	sdelay $0x3  }
0x53: {  	v1 =	vld.idx.msk [tilespmem:v0+s9+$0x0 ss:$0x1], $0xffff  }
0x54: {  	s6 =	sadd.s32 $0x1, s6  }
0x55: {  	p0 =	sne.s32 s6, $0x10  }
.Ltmp3:
0x56: {  	_ = 	snop;
	(pc) =	sbr.rel @p0 .LBB2_6-.Ltmp3, $3  }
0x57: {  	_ = 	snop  }
0x58: {  	v1 =	vmul.f32 v2, v1;
	_ =	sdelay $0x1  }
0x59: {  	s7 =	sadd.s32 $0x400, s7;
	s8 =	sadd.s32 $0x400, s8;
	[tilespmem:v0+s9+$0x0 ss:$0x1] =	vst.idx.msk $0xffff, v1  }
0x5a: {  	s6 =	simm.s32 $0x0;
	s7 =	rddreg [dreg:$0x9]  }
0x5b: {  	[hbm4b:s7+s6] =	stream.linear.scatter [tilespmem:s25], [sflag:$0x6], $0x4000, $0x38;
	[tilespmem:$0x10080] =	vst v63  }
0x5c: {  	_ =	swait.ge [sflag:s4], $0x4000  }
0x5d: {  	[sflag:s4] =	ssyncset.done $0x0  }
0x5e: {  	s9 =	simm.s32 $0x30;
	[sflag:s4] =	ssyncadd.s32 $0xFFFFC000  }
0x5f: {  	[tilespmem:s24], [sflag:$0x2] =	stream.indirect.gather [hbm4b:s3+s23], $0x400, s9, s23, $0xb8;
	[tilespmem:$0x10080] =	vst v63  }
0x60: {  	s10 =	rddreg [dreg:$0xa]  }
0x61: {  	[tilespmem:s25], [sflag:$0x4] =	stream.linear.gather [hbm4b:s10+s6], $0x4000, $0x38;
	[tilespmem:$0x10080] =	vst v63  }
0x62: {  	_ =	swait.ge [sflag:s26], $0x4000  }
0x63: {  	[sflag:s26] =	ssyncset.done $0x0  }
0x64: {  	[sflag:s26] =	ssyncadd.s32 $0xFFFFC000  }
0x65: {  	_ =	swait.ge [sflag:s28], $0x4000  }
0x66: {  	[sflag:s28] =	ssyncset.done $0x0  }
0x67: {  	s8 =	simm.s32 $0x80;
	s7 =	simm.s32 $0x8080;
	[sflag:s28] =	ssyncadd.s32 $0xFFFFC000  }
.LBB2_10:
0x68: {  	v1 =	vmov s8  }
0x69: {  	v0 =	vmov s7;
	_ =	sdelay $0x2  }
0x6a: {  	s9 =	simm.s32 $0x0  }
0x6b: {  	s10 =	simm.s32 $0x40;
	v2 =	vld.idx.msk [tilespmem:v1+s9+$0x0 ss:$0x1], $0xffff  }
.LBB2_11:
0x6c: {  	p0 =	sne.s32 s10, $0xFC0;
	v3 =	vld.idx.msk [tilespmem:v0+s9+$0x0 ss:$0x1], $0xffff;
	_ =	sdelay $0x4  }
.Ltmp4:
0x6d: {  	(pc) =	sbr.rel @p0 .LBB2_11-.Ltmp4, $3  }
0x6e: {  	v2 =	vmul.f32 v2, v3;
	_ =	sdelay $0x1  }
0x6f: {  	[tilespmem:v0+s9+$0x0 ss:$0x1] =	vst.idx.msk $0xffff, v2;
	s9 =	sshra.s32 s10, $0x2  }
0x70: {  	s10 =	sadd.s32 $0x40, s10;
	v2 =	vld.idx.msk [tilespmem:v1+s9+$0x0 ss:$0x1], $0xffff  }
0x71: {  	_ =	sdelay $0x3  }
0x72: {  	v1 =	vld.idx.msk [tilespmem:v0+s9+$0x0 ss:$0x1], $0xffff  }
0x73: {  	s6 =	sadd.s32 $0x1, s6  }
0x74: {  	p0 =	sne.s32 s6, $0x10  }
.Ltmp5:
0x75: {  	_ = 	snop;
	(pc) =	sbr.rel @p0 .LBB2_10-.Ltmp5, $3  }
0x76: {  	_ = 	snop  }
0x77: {  	v1 =	vmul.f32 v2, v1;
	_ =	sdelay $0x1  }
0x78: {  	s7 =	sadd.s32 $0x400, s7;
	s8 =	sadd.s32 $0x400, s8;
	[tilespmem:v0+s9+$0x0 ss:$0x1] =	vst.idx.msk $0xffff, v1  }
0x79: {  	s6 =	simm.s32 $0x0  }
0x7a: {  	[hbm4b:s11+s6] =	stream.linear.scatter [tilespmem:s29], [sflag:$0x5], $0x4000, $0x38;
	[tilespmem:$0x10080] =	vst v63  }
0x7b: {  	_ =	swait.ge [sflag:s30], $0x4000  }
0x7c: {  	[sflag:s30] =	ssyncset.done $0x0  }
0x7d: {  	s7 =	simm.s32 $0x40;
	[sflag:s30] =	ssyncadd.s32 $0xFFFFC000  }
0x7e: {  	[tilespmem:s0], [sflag:$0x1] =	stream.indirect.gather [hbm4b:s3+s23], $0x400, s7, s23, $0xb8;
	[tilespmem:$0x10080] =	vst v63  }
0x7f: {  	_ = 	snop  }
0x80: {  	[tilespmem:s29], [sflag:$0x3] =	stream.linear.gather [hbm4b:s12+s6], $0x4000, $0x38;
	[tilespmem:$0x10080] =	vst v63  }
0x81: {  	_ =	swait.ge [sflag:s1], $0x4000  }
0x82: {  	[sflag:s1] =	ssyncset.done $0x0  }
0x83: {  	[sflag:s1] =	ssyncadd.s32 $0xFFFFC000  }
0x84: {  	_ =	swait.ge [sflag:s31], $0x4000  }
0x85: {  	[sflag:s31] =	ssyncset.done $0x0  }
0x86: {  	s8 =	simm.s32 $0x4080;
	s7 =	simm.s32 $0xC080;
	[sflag:s31] =	ssyncadd.s32 $0xFFFFC000  }
.LBB2_14:
0x87: {  	v1 =	vmov s8  }
0x88: {  	v0 =	vmov s7;
	_ =	sdelay $0x2  }
0x89: {  	s9 =	simm.s32 $0x0  }
0x8a: {  	s10 =	simm.s32 $0x40;
	v2 =	vld.idx.msk [tilespmem:v1+s9+$0x0 ss:$0x1], $0xffff  }
.LBB2_15:
0x8b: {  	p0 =	sne.s32 s10, $0xFC0;
	v3 =	vld.idx.msk [tilespmem:v0+s9+$0x0 ss:$0x1], $0xffff;
	_ =	sdelay $0x4  }
.Ltmp6:
0x8c: {  	(pc) =	sbr.rel @p0 .LBB2_15-.Ltmp6, $3  }
0x8d: {  	v2 =	vmul.f32 v2, v3;
	_ =	sdelay $0x1  }
0x8e: {  	[tilespmem:v0+s9+$0x0 ss:$0x1] =	vst.idx.msk $0xffff, v2;
	s9 =	sshra.s32 s10, $0x2  }
0x8f: {  	s10 =	sadd.s32 $0x40, s10;
	v2 =	vld.idx.msk [tilespmem:v1+s9+$0x0 ss:$0x1], $0xffff  }
0x90: {  	_ =	sdelay $0x3  }
0x91: {  	v1 =	vld.idx.msk [tilespmem:v0+s9+$0x0 ss:$0x1], $0xffff  }
0x92: {  	s6 =	sadd.s32 $0x1, s6  }
0x93: {  	p0 =	sne.s32 s6, $0x10  }
.Ltmp7:
0x94: {  	_ = 	snop;
	(pc) =	sbr.rel @p0 .LBB2_14-.Ltmp7, $3  }
0x95: {  	_ = 	snop  }
0x96: {  	v1 =	vmul.f32 v2, v1;
	_ =	sdelay $0x1  }
0x97: {  	s7 =	sadd.s32 $0x400, s7;
	s8 =	sadd.s32 $0x400, s8;
	[tilespmem:v0+s9+$0x0 ss:$0x1] =	vst.idx.msk $0xffff, v1  }
0x98: {  	s6 =	simm.s32 $0x0  }
0x99: {  	[hbm4b:s13+s6] =	stream.linear.scatter [tilespmem:s25], [sflag:$0x6], $0x4000, $0x38;
	[tilespmem:$0x10080] =	vst v63  }
0x9a: {  	_ =	swait.ge [sflag:s4], $0x4000  }
0x9b: {  	[sflag:s4] =	ssyncset.done $0x0  }
0x9c: {  	s7 =	simm.s32 $0x50;
	[sflag:s4] =	ssyncadd.s32 $0xFFFFC000  }
0x9d: {  	[tilespmem:s24], [sflag:$0x2] =	stream.indirect.gather [hbm4b:s3+s23], $0x400, s7, s23, $0xb8;
	[tilespmem:$0x10080] =	vst v63  }
0x9e: {  	_ = 	snop  }
0x9f: {  	[tilespmem:s25], [sflag:$0x4] =	stream.linear.gather [hbm4b:s14+s6], $0x4000, $0x38;
	[tilespmem:$0x10080] =	vst v63  }
0xa0: {  	_ =	swait.ge [sflag:s26], $0x4000  }
0xa1: {  	[sflag:s26] =	ssyncset.done $0x0  }
0xa2: {  	[sflag:s26] =	ssyncadd.s32 $0xFFFFC000  }
0xa3: {  	_ =	swait.ge [sflag:s28], $0x4000  }
0xa4: {  	[sflag:s28] =	ssyncset.done $0x0  }
0xa5: {  	s8 =	simm.s32 $0x80;
	s7 =	simm.s32 $0x8080;
	[sflag:s28] =	ssyncadd.s32 $0xFFFFC000  }
.LBB2_18:
0xa6: {  	v1 =	vmov s8  }
0xa7: {  	v0 =	vmov s7;
	_ =	sdelay $0x2  }
0xa8: {  	s9 =	simm.s32 $0x0  }
0xa9: {  	s10 =	simm.s32 $0x40;
	v2 =	vld.idx.msk [tilespmem:v1+s9+$0x0 ss:$0x1], $0xffff  }
.LBB2_19:
0xaa: {  	p0 =	sne.s32 s10, $0xFC0;
	v3 =	vld.idx.msk [tilespmem:v0+s9+$0x0 ss:$0x1], $0xffff;
	_ =	sdelay $0x4  }
.Ltmp8:
0xab: {  	(pc) =	sbr.rel @p0 .LBB2_19-.Ltmp8, $3  }
0xac: {  	v2 =	vmul.f32 v2, v3;
	_ =	sdelay $0x1  }
0xad: {  	[tilespmem:v0+s9+$0x0 ss:$0x1] =	vst.idx.msk $0xffff, v2;
	s9 =	sshra.s32 s10, $0x2  }
0xae: {  	s10 =	sadd.s32 $0x40, s10;
	v2 =	vld.idx.msk [tilespmem:v1+s9+$0x0 ss:$0x1], $0xffff  }
0xaf: {  	_ =	sdelay $0x3  }
0xb0: {  	v1 =	vld.idx.msk [tilespmem:v0+s9+$0x0 ss:$0x1], $0xffff  }
0xb1: {  	s6 =	sadd.s32 $0x1, s6  }
0xb2: {  	p0 =	sne.s32 s6, $0x10  }
.Ltmp9:
0xb3: {  	_ = 	snop;
	(pc) =	sbr.rel @p0 .LBB2_18-.Ltmp9, $3  }
0xb4: {  	_ = 	snop  }
0xb5: {  	v1 =	vmul.f32 v2, v1;
	_ =	sdelay $0x1  }
0xb6: {  	s7 =	sadd.s32 $0x400, s7;
	s8 =	sadd.s32 $0x400, s8;
	[tilespmem:v0+s9+$0x0 ss:$0x1] =	vst.idx.msk $0xffff, v1  }
0xb7: {  	s6 =	simm.s32 $0x0  }
0xb8: {  	[hbm4b:s15+s6] =	stream.linear.scatter [tilespmem:s29], [sflag:$0x5], $0x4000, $0x38;
	[tilespmem:$0x10080] =	vst v63  }
0xb9: {  	_ =	swait.ge [sflag:s30], $0x4000  }
0xba: {  	[sflag:s30] =	ssyncset.done $0x0  }
0xbb: {  	s7 =	simm.s32 $0x60;
	[sflag:s30] =	ssyncadd.s32 $0xFFFFC000  }
0xbc: {  	[tilespmem:s0], [sflag:$0x1] =	stream.indirect.gather [hbm4b:s3+s23], $0x400, s7, s23, $0xb8;
	[tilespmem:$0x10080] =	vst v63  }
0xbd: {  	_ = 	snop  }
0xbe: {  	[tilespmem:s29], [sflag:$0x3] =	stream.linear.gather [hbm4b:s16+s6], $0x4000, $0x38;
	[tilespmem:$0x10080] =	vst v63  }
0xbf: {  	_ =	swait.ge [sflag:s1], $0x4000  }
0xc0: {  	[sflag:s1] =	ssyncset.done $0x0  }
0xc1: {  	[sflag:s1] =	ssyncadd.s32 $0xFFFFC000  }
0xc2: {  	_ =	swait.ge [sflag:s31], $0x4000  }
0xc3: {  	[sflag:s31] =	ssyncset.done $0x0  }
0xc4: {  	s8 =	simm.s32 $0x4080;
	s7 =	simm.s32 $0xC080;
	[sflag:s31] =	ssyncadd.s32 $0xFFFFC000  }
.LBB2_22:
0xc5: {  	v1 =	vmov s8  }
0xc6: {  	v0 =	vmov s7;
	_ =	sdelay $0x2  }
0xc7: {  	s9 =	simm.s32 $0x0  }
0xc8: {  	s10 =	simm.s32 $0x40;
	v2 =	vld.idx.msk [tilespmem:v1+s9+$0x0 ss:$0x1], $0xffff  }
.LBB2_23:
0xc9: {  	p0 =	sne.s32 s10, $0xFC0;
	v3 =	vld.idx.msk [tilespmem:v0+s9+$0x0 ss:$0x1], $0xffff;
	_ =	sdelay $0x4  }
.Ltmp10:
0xca: {  	(pc) =	sbr.rel @p0 .LBB2_23-.Ltmp10, $3  }
0xcb: {  	v2 =	vmul.f32 v2, v3;
	_ =	sdelay $0x1  }
0xcc: {  	[tilespmem:v0+s9+$0x0 ss:$0x1] =	vst.idx.msk $0xffff, v2;
	s9 =	sshra.s32 s10, $0x2  }
0xcd: {  	s10 =	sadd.s32 $0x40, s10;
	v2 =	vld.idx.msk [tilespmem:v1+s9+$0x0 ss:$0x1], $0xffff  }
0xce: {  	_ =	sdelay $0x3  }
0xcf: {  	v1 =	vld.idx.msk [tilespmem:v0+s9+$0x0 ss:$0x1], $0xffff  }
0xd0: {  	s6 =	sadd.s32 $0x1, s6  }
0xd1: {  	p0 =	sne.s32 s6, $0x10  }
.Ltmp11:
0xd2: {  	_ = 	snop;
	(pc) =	sbr.rel @p0 .LBB2_22-.Ltmp11, $3  }
0xd3: {  	_ = 	snop  }
0xd4: {  	v1 =	vmul.f32 v2, v1;
	_ =	sdelay $0x1  }
0xd5: {  	s7 =	sadd.s32 $0x400, s7;
	s8 =	sadd.s32 $0x400, s8;
	[tilespmem:v0+s9+$0x0 ss:$0x1] =	vst.idx.msk $0xffff, v1  }
0xd6: {  	s6 =	simm.s32 $0x0  }
0xd7: {  	[hbm4b:s17+s6] =	stream.linear.scatter [tilespmem:s25], [sflag:$0x6], $0x4000, $0x38;
	[tilespmem:$0x10080] =	vst v63  }
0xd8: {  	_ =	swait.ge [sflag:s4], $0x4000  }
0xd9: {  	[sflag:s4] =	ssyncset.done $0x0  }
0xda: {  	s7 =	simm.s32 $0x70;
	[sflag:s4] =	ssyncadd.s32 $0xFFFFC000  }
0xdb: {  	[tilespmem:s24], [sflag:$0x2] =	stream.indirect.gather [hbm4b:s3+s23], $0x400, s7, s23, $0xb8;
	[tilespmem:$0x10080] =	vst v63  }
0xdc: {  	_ = 	snop  }
0xdd: {  	[tilespmem:s25], [sflag:$0x4] =	stream.linear.gather [hbm4b:s18+s6], $0x4000, $0x38;
	[tilespmem:$0x10080] =	vst v63  }
0xde: {  	_ =	swait.ge [sflag:s26], $0x4000  }
0xdf: {  	[sflag:s26] =	ssyncset.done $0x0  }
0xe0: {  	[sflag:s26] =	ssyncadd.s32 $0xFFFFC000  }
0xe1: {  	_ =	swait.ge [sflag:s28], $0x4000  }
0xe2: {  	[sflag:s28] =	ssyncset.done $0x0  }
0xe3: {  	s8 =	simm.s32 $0x80;
	s7 =	simm.s32 $0x8080;
	[sflag:s28] =	ssyncadd.s32 $0xFFFFC000  }
.LBB2_26:
0xe4: {  	v1 =	vmov s8  }
0xe5: {  	v0 =	vmov s7;
	_ =	sdelay $0x2  }
0xe6: {  	s9 =	simm.s32 $0x0  }
0xe7: {  	s10 =	simm.s32 $0x40;
	v2 =	vld.idx.msk [tilespmem:v1+s9+$0x0 ss:$0x1], $0xffff  }
.LBB2_27:
0xe8: {  	p0 =	sne.s32 s10, $0xFC0;
	v3 =	vld.idx.msk [tilespmem:v0+s9+$0x0 ss:$0x1], $0xffff;
	_ =	sdelay $0x4  }
.Ltmp12:
0xe9: {  	(pc) =	sbr.rel @p0 .LBB2_27-.Ltmp12, $3  }
0xea: {  	v2 =	vmul.f32 v2, v3;
	_ =	sdelay $0x1  }
0xeb: {  	[tilespmem:v0+s9+$0x0 ss:$0x1] =	vst.idx.msk $0xffff, v2;
	s9 =	sshra.s32 s10, $0x2  }
0xec: {  	s10 =	sadd.s32 $0x40, s10;
	v2 =	vld.idx.msk [tilespmem:v1+s9+$0x0 ss:$0x1], $0xffff  }
0xed: {  	_ =	sdelay $0x3  }
0xee: {  	v1 =	vld.idx.msk [tilespmem:v0+s9+$0x0 ss:$0x1], $0xffff  }
0xef: {  	s6 =	sadd.s32 $0x1, s6  }
0xf0: {  	p0 =	sne.s32 s6, $0x10  }
.Ltmp13:
0xf1: {  	_ = 	snop;
	(pc) =	sbr.rel @p0 .LBB2_26-.Ltmp13, $3  }
0xf2: {  	_ = 	snop  }
0xf3: {  	v1 =	vmul.f32 v2, v1;
	_ =	sdelay $0x1  }
0xf4: {  	s7 =	sadd.s32 $0x400, s7;
	s8 =	sadd.s32 $0x400, s8;
	[tilespmem:v0+s9+$0x0 ss:$0x1] =	vst.idx.msk $0xffff, v1  }
0xf5: {  	s6 =	simm.s32 $0x0  }
0xf6: {  	[hbm4b:s19+s6] =	stream.linear.scatter [tilespmem:s29], [sflag:$0x5], $0x4000, $0x38;
	[tilespmem:$0x10080] =	vst v63  }
0xf7: {  	_ =	swait.ge [sflag:s1], $0x4000  }
0xf8: {  	[sflag:s1] =	ssyncset.done $0x0  }
0xf9: {  	[sflag:s1] =	ssyncadd.s32 $0xFFFFC000  }
0xfa: {  	_ =	swait.ge [sflag:s31], $0x4000  }
0xfb: {  	[sflag:s31] =	ssyncset.done $0x0  }
0xfc: {  	s7 =	simm.s32 $0xC080;
	s8 =	simm.s32 $0x4080;
	[sflag:s31] =	ssyncadd.s32 $0xFFFFC000  }
.LBB2_30:
0xfd: {  	v1 =	vmov s8  }
0xfe: {  	v0 =	vmov s7;
	_ =	sdelay $0x2  }
0xff: {  	s9 =	simm.s32 $0x0  }
0x100: {  	s10 =	simm.s32 $0x40;
	v2 =	vld.idx.msk [tilespmem:v1+s9+$0x0 ss:$0x1], $0xffff  }
.LBB2_31:
0x101: {  	p0 =	sne.s32 s10, $0xFC0;
	v3 =	vld.idx.msk [tilespmem:v0+s9+$0x0 ss:$0x1], $0xffff;
	_ =	sdelay $0x4  }
.Ltmp14:
0x102: {  	(pc) =	sbr.rel @p0 .LBB2_31-.Ltmp14, $3  }
0x103: {  	v2 =	vmul.f32 v2, v3;
	_ =	sdelay $0x1  }
0x104: {  	[tilespmem:v0+s9+$0x0 ss:$0x1] =	vst.idx.msk $0xffff, v2;
	s9 =	sshra.s32 s10, $0x2  }
0x105: {  	s10 =	sadd.s32 $0x40, s10;
	v2 =	vld.idx.msk [tilespmem:v1+s9+$0x0 ss:$0x1], $0xffff  }
0x106: {  	_ =	sdelay $0x3  }
0x107: {  	v1 =	vld.idx.msk [tilespmem:v0+s9+$0x0 ss:$0x1], $0xffff  }
0x108: {  	s6 =	sadd.s32 $0x1, s6  }
0x109: {  	p0 =	sne.s32 s6, $0x10  }
.Ltmp15:
0x10a: {  	_ = 	snop;
	(pc) =	sbr.rel @p0 .LBB2_30-.Ltmp15, $3  }
0x10b: {  	_ = 	snop  }
0x10c: {  	v1 =	vmul.f32 v2, v1;
	_ =	sdelay $0x1  }
0x10d: {  	s7 =	sadd.s32 $0x400, s7;
	s8 =	sadd.s32 $0x400, s8;
	[tilespmem:v0+s9+$0x0 ss:$0x1] =	vst.idx.msk $0xffff, v1  }
0x10e: {  	[hbm4b:s20+s2] =	stream.linear.scatter [tilespmem:s25], [sflag:$0x6], $0x4000, $0x38;
	[tilespmem:$0x10080] =	vst v63  }
0x10f: {  	s5 =	sadd.s32 $0x1, s5  }
0x110: {  	_ =	swait.ge [sflag:s30], $0x4000;
	p0 =	sne.s32 s5, s21  }
.Ltmp16:
0x111: {  	[sflag:s30] =	ssyncset.done $0x0;
	(pc) =	sbr.rel @p0 .LBB2_1-.Ltmp16, $4  }
0x112: {  	[sflag:s30] =	ssyncadd.s32 $0xFFFFC000  }
0x113: {  	_ =	swait.ge [sflag:s4], $0x4000  }
0x114: {  	[sflag:s4] =	ssyncset.done $0x0  }
0x115: {  	[sflag:s4] =	ssyncadd.s32 $0xFFFFC000  }
0x116: {  	_ =	sfence.sel $0x180000  }
0x117: {  	[bflag:$0x0] =	sbarrier.arrive $0xFFFF  }
0x118: {  	_ =	strace $0x9000004D  }
0x119: {  	s0 =	stileid.u32;
	[bflag:$0x2] =	sbarrier.arrive $0xFFFF  }
0x11a: {  	p0 =	sne.s32 s0, $0x0;
	s0 =	rddreg [dreg:$0x3]  }
0x11b: {  	s0 =	sadd.s32 @!p0 $0x100000, s0  }
0x11c: {  	[sflag:s0] =	ssyncadd.tile.s32 @!p0 $0x1;
	_ =	shalt  }
.Lfunc_end2:
_tile_overlayer_lowered:
.L_overlay_start_2:
0x11d: {  	(tag) =	ssettag $0x2  }
0x11e: {  	s0 =	rddreg [dreg:$0x0];
	s2 =	stileid.u32  }
0x11f: {  	s1 =	rddreg [dreg:$0x1];
	p0 =	sne.s32 s2, $0x0  }
0x120: {  	s3 =	rddreg [dreg:$0x2];
	[bflag:$0x3] =	sbarrier.arrive $0xFFFF;
	s2 =	simm.s32 @!p0 $0x1C07  }
0x121: {  	[timem:s3], [sflag:s2] =	dma.local @!p0 [hbm:s0], s1  }
0x122: {  	s0 =	simm.s32 @!p0 $0x7  }
0x123: {  	_ =	swait.ge @!p0 [sflag:s0], s1  }
0x124: {  	s1 =	ssub.s32 @!p0 $0x0, s1;
	[sflag:s0] =	ssyncset.done @!p0 $0x0  }
0x125: {  	[sflag:s0] =	ssyncadd.s32 @!p0 s1  }
0x126: {  	[bflag:$0x3] =	sbarrier.arrive $0xFFFF  }
0x127: {  	_ =	shalt  }

// kernel: sparse-core-data-format-call.1.cloned.1.call-start
scs
called_computation.1_lowered:
.L_overlay_start_0:
0x0: {  	s1 =	sld [smem:$0x3FD9]  }
0x1: {  	s2 =	sld [smem:$0x3FFE];
	_ =	sdelay $0x1  }
0x2: {  	s3 =	srdreg.scid  }
0x3: {  	s0 =	sand.u32 $0x1, s3  }
0x4: {  	s17 =	sshll.u32 s0, $0xA;
	s1 =	sadd.s32 s2, s1  }
0x5: {  	s1 =	sadd.s32 s1, s17  }
0x6: {  	[smem:$0x3FC5] =	sst s1  }
0x7: {  	_ = 	snop  }
0x8: {  	(tm) =	ssettm $0x1  }
0x9: {  	s18 =	sld [smem:$0x3FFB];
	_ =	sdelay $0x3  }
0xa: {  	_ =	strace s18  }
0xb: {  	s1 =	sld [smem:$0x3FFC];
	_ =	sdelay $0x3  }
0xc: {  	_ =	strace s1  }
0xd: {  	s1 =	sld [smem:$0x3FFD];
	_ =	sdelay $0x3  }
0xe: {  	_ =	strace s1  }
0xf: {  	_ =	strace $0x8FFFFFFF  }
0x10: {  	s19 =	sld [smem:$0x3FDB];
	_ =	sdelay $0x1  }
0x11: {  	s20 =	simm.s32 $_scs_section_size  }
0x12: {  	s4 =	simm.s32 $_size__tile_overlayer_lowered;
	s5 =	simm.s32 $_tile_overlayer_lowered  }
0x13: {  	s23 =	simm.s32 $0x1BFF;
	s22 =	sshll.u32 s5, $0x1;
	s1 =	sadd.s32 s20, s19  }
0x14: {  	s6 =	simm.s32 $0x0;
	s21 =	sshll.u32 s4, $0x1;
	s4 =	sadd.s32 s22, s1  }
0x15: {  	[timem:s6], [sflag:s23] =	dma.local [hbm:s4], s21  }
0x16: {  	_ =	swait.ge [sflag:s23], s21  }
0x17: {  	s2 =	ssub.s32 $0x0, s21;
	[sflag:s23] =	ssyncset.done $0x0  }
0x18: {  	[sflag:s23] =	ssyncadd.s32 s2;
	_ =	sdelay $0x1  }
0x19: {  	s24 =	simm.s32 $0x1B8B  }
0x1a: {  	_ =	swait.ge [sflag:s24], $0x1  }
0x1b: {  	[sflag:s24] =	ssyncset.done $0x0  }
0x1c: {  	s26 =	simm.s32 $0x1B8E;
	s25 =	sld [smem:$0x3FFE];
	[sflag:s24] =	ssyncadd.s32 $0xFFFFFFFF  }
0x1d: {  	s27 =	simm.s32 $execute0_lowered;
	[smem:$0x3FD2] =	sst s26  }
0x1e: {  	s4 =	sshll.u32 s27, $0x1;
	_ =	strace $0x80000046;
	[dreg:$0x1] =	wrdreg $0xFFFFFFFF  }
0x1f: {  	s28 =	simm.s32 $_size_execute0_lowered;
	s1 =	sadd.s32 s1, s4;
	[dreg:$0x0] =	wrdreg $0x0  }
0x20: {  	s4 =	sshll.u32 s28, $0x1;
	[dreg:$0x2] =	wrdreg s1  }
0x21: {  	[dreg:$0x3] =	wrdreg s4  }
0x22: {  	[dreg:$0x4] =	wrdreg $0xC0  }
0x23: {  	_ =	task [dreg:s6], $0x5FFFF  }
0x24: {  	[dreg:$0x1] =	wrdreg $0xFFFFFFFF  }
0x25: {  	[dreg:$0x0] =	wrdreg $0x60  }
0x26: {  	[dreg:$0x2] =	wrdreg s25  }
0x27: {  	[dreg:$0x3] =	wrdreg $0x9  }
0x28: {  	_ =	task.clear_ibuf [dreg:s6], $0x4FFFF;
	_ =	strace $0x90000046  }
0x29: {  	s29 =	simm.s32 $0x9;
	_ =	strace $0x80000048  }
0x2a: {  	_ =	swait.ge [sflag:s29], $0x1  }
0x2b: {  	[sflag:s29] =	ssyncadd.s32 $0xFFFFFFFF  }
0x2c: {  	_ =	strace $0x90000048  }
0x2d: {  	_ =	sfence  }
0x2e: {  	s30 =	sld [smem:$0x0];
	_ =	sdelay $0x2  }
0x2f: {  	s31 =	sshll.u32 s3, $0xD;
	s3 =	sshrl.u32 s3, $0x2  }
0x30: {  	s2 =	sand.u32 $0x4000, s31;
	s1 =	sadd.s32 s3, s30  }
0x31: {  	s0 =	sor.u32 s2, s0;
	s1 =	sshll.u32 s1, $0x11  }
0x32: {  	s0 =	sor.u32 s1, s0  }
0x33: {  	s0 =	sadd.s32 $0x8F2B, s0  }
0x34: {  	[sflag:s0] =	ssyncadd.remote.s32 $0x1  }
0x35: {  	_ =	sfence.sel $0xFFFF  }
0x36: {  	[dreg:$0x0] =	wrdreg $0xFFFFFFFF;
	(pc) =	sbr.abs _section_cstart, $3  }
0x37: {  	[dreg:$0x1] =	wrdreg $0xFFFFFFFF  }
0x38: {  	_ =	task.clear_ibuf [dreg:s6], $0x2FFFF;
	_ =	strace $0x9FFFFFFF  }
0x39: {  	(tm) =	ssettm $0x7FFFFFFF  }
tec
execute0_lowered:
.L_overlay_start_1:
0x0: {  	(tag) =	ssettag $0x1  }
0x1: {  	s0 =	stileid.u32  }
0x2: {  	s1 =	srdreg.scid;
	s7 =	rddreg [dreg:$0x0]  }
0x3: {  	s31 =	simm.s32 $0x2;
	s16 =	simm.s32 $0x0;
	s9 =	simm.s32 $0x2000  }
0x4: {  	s15 =	simm.s32 $0x0;
	s10 =	simm.s32 $0x0;
	s11 =	simm.s32 $0x0  }
0x5: {  	s2 =	sshll.u32 s0, $0x7;
	s3 =	sshll.u32 s0, $0x4;
	s1 =	sshll.u32 s1, $0x8  }
0x6: {  	s14 =	simm.s32 $0x0;
	s2 =	sand.u32 $0x380, s2;
	s3 =	sor.u32 s3, s1  }
0x7: {  	s1 =	rddreg [dreg:$0x1];
	s4 =	ssub.s32 $0x400, s2;
	s3 =	sand.u32 $0x180, s3  }
0x8: {  	_ =	strace $0x80000047;
	s5 =	sand.u32 $0x380, s4;
	s6 =	ssub.s32 $0xEA00, s3  }
0x9: {  	s4 =	sshrl.u32 s4, $0xA;
	p0 =	sne.s32 s5, $0x0;
	s5 =	simm.s32 $0x1  }
.Ltmp0:
0xa: {  	s6 =	sshrl.u32 s6, $0x9;
	s5 =	simm.s32 @!p0 $0x0;
	(pc) =	sbr.rel .LBB1_1-.Ltmp0, $4  }
0xb: {  	s13 =	smov.u32 s2;
	s6 =	sadd.s32 $0x1, s6;
	s8 =	sadd.s32 s5, s4  }
0xc: {  	s12 =	smov.u32 s3;
	s5 =	simm.s32 $0x1;
	s6 =	smul.u32 s8, s6  }
0xd: {  	p0 =	por $0x0, $0x0;
	s4 =	sadd.s32 $0xE00, s7;
	[sflag:s5] =	ssyncpa.u1 $0x0  }
0xe: {  	s7 =	sadd.s32 $0x754E00, s7;
	[sflag:s31] =	ssyncpa.u1 $0x0;
	s8 =	sadd.s32 $0x1, s6  }
.LBB1_4:
0xf: {  	s21 =	sshra.s32 s21, $0x2;
	s27 =	sshll.u32 s10, $0xA;
	s22 =	sshll.u32 s11, $0x3  }
0x10: {  	s23 =	sshll.u32 s10, $0x7;
	s24 =	sand.u32 $0x78, s11;
	p1 =	sgt.s32 s10, $0xE9E0  }
0x11: {  	s25 =	sshra.s32 s10, $0x1F;
	s26 =	sshra.s32 s11, $0x1F;
	s20 =	sadd.s32 s21, s20  }
0x12: {  	v5 =	vld [tilespmem:s18+$0xFFFFFFD0];
	[tilespmem:s19+$0x2040 ss:$0x81] =	vst.msk $0xffff, v4;
	s21 =	sand.u32 $0xFFFFE000, s27;
	s22 =	sand.u32 $0xFFFFFC00, s22;
	s28 =	sand.u32 $0x380, s23  }
0x13: {  	v58 =	vld [tilespmem:s18+$0xFFFFFFE0];
	[tilespmem:s19+$0x2850 ss:$0x81] =	vst.msk $0xffff, v3;
	s23 =	smov.u32 s10;
	s30 =	sand.u32 s25, s10;
	s25 =	smov.u32 s11  }
0x14: {  	v59 =	vld [tilespmem:s18+$0xFFFFFFF0];
	[tilespmem:s19+$0x3060 ss:$0x81] =	vst.msk $0xffff, v2;
	s31 =	sand.u32 s26, s11;
	s21 =	sadd.s32 s22, s21;
	s22 =	sor.u32 s24, s28  }
0x15: {  	v60 =	vld [tilespmem:s18+$0x0];
	[tilespmem:s19+$0x0 ss:$0x81] =	vst.msk $0xffff, v1;
	s23 =	simm.s32 @!p1 $0xE9E0;
	p1 =	sgt.s32 s11, $0x380;
	s21 =	sshrl.u32 s21, $0xA  }
0x16: {  	v61 =	vld [tilespmem:s18+$0x10];
	[tilespmem:s20+$0x3870 ss:$0x81] =	vst.msk $0xffff, v0;
	s19 =	ssub.s32 s23, s30;
	s25 =	simm.s32 @!p1 $0x380;
	s29 =	smulhi.u32 $0x45E7B3, s21  }
0x17: {  	v62 =	vld [tilespmem:s18+$0x20];
	s23 =	ssub.s32 s25, s31;
	s26 =	sadd.s32 $0xFFFF1620, s19;
	s19 =	ssub.s32 $0xEA60, s19;
	[tilespmem:s20+$0x810 ss:$0x81] =	vst.msk $0xffff, v5  }
0x18: {  	v63 =	vld [tilespmem:s18+$0xFFFFFFC0];
	[tilespmem:s20+$0x1020 ss:$0x81] =	vst.msk $0xffff, v58;
	p1 =	sgt.s32 s26, $0x7F;
	s28 =	sadd.s32 $0xFFFFFC80, s23;
	s24 =	sshrl.u32 s29, $0x6  }
0x19: {  	[tilespmem:s20+$0x1830 ss:$0x81] =	vst.msk $0xffff, v59;
	s23 =	ssub.s32 $0x400, s23;
	p2 =	sgt.s32 s28, $0x7F;
	s27 =	smul.u32 $0xEA60, s24  }
0x1a: {  	s30 =	sand.u32 $0x7, s11;
	[tilespmem:s20+$0x2040 ss:$0x81] =	vst.msk $0xffff, v60;
	s19 =	simm.s32 @p1 $0x0;
	s23 =	simm.s32 @p2 $0x0  }
0x1b: {  	[tilespmem:s20+$0x2850 ss:$0x81] =	vst.msk $0xffff, v61;
	s29 =	sshrl.u32 s22, $0x3;
	s19 =	smul.u32 s23, s19;
	s18 =	ssub.s32 s21, s27  }
0x1c: {  	[tilespmem:s20+$0x3060 ss:$0x81] =	vst.msk $0xffff, v62;
	s22 =	sshll.u32 s30, $0x12;
	s21 =	sadd.s32 s7, s29;
	s18 =	sshll.u32 s18, $0x7  }
0x1d: {  	[tilespmem:s20+$0x0 ss:$0x81] =	vst.msk $0xffff, v63;
	s31 =	sor.u32 $0x400, s22;
	s19 =	sand.u32 $0x3FFFFFFF, s19;
	s18 =	sadd.s32 s18, s21  }
0x1e: {  	[hbm4b:s18+s31] =	stream.strided.scatter [tilespmem:s17], [sflag:$0x2], s19, s9, s31, $0x20;
	[tilespmem:$0x10100] =	vst v63  }
.LBB1_5:
0x1f: {  	p1 =	slt.u32 s14, $0x2  }
0x20: {  	s18 =	smov.u32 s16;
	p2 =	sgt.s32 @!p1 s16, $0xE9E0;
	s17 =	sshra.s32 @!p1 s16, $0x1F  }
0x21: {  	p3 =	sgt.s32 @!p1 s15, $0x380;
	s19 =	sshra.s32 @!p1 s15, $0x1F;
	p2 =	por !p2, p1  }
0x22: {  	s16 =	sand.u32 @!p1 s17, s16;
	p3 =	por !p3, p1;
	s17 =	smov.u32 s15  }
0x23: {  	s15 =	sand.u32 @!p1 s19, s15;
	s18 =	simm.s32 @p2 $0xE9E0;
	s17 =	simm.s32 @p3 $0x380  }
0x24: {  	s16 =	ssub.s32 @!p1 s18, s16;
	s15 =	ssub.s32 @!p1 s17, s15  }
0x25: {  	s19 =	smov.u32 s13;
	s17 =	sadd.s32 @!p1 $0xFFFF1620, s16;
	s18 =	sadd.s32 @!p1 $0xFFFFFC80, s15  }
0x26: {  	s16 =	ssub.s32 @!p1 $0xEA60, s16;
	p2 =	sgt.s32 @!p1 s17, $0x7F;
	p3 =	sgt.s32 @!p1 s18, $0x7F  }
0x27: {  	s15 =	ssub.s32 @!p1 $0x400, s15;
	p2 =	por !p2, p1;
	p3 =	por !p3, p1  }
0x28: {  	s17 =	sadd.s32 $0x200, s12;
	s16 =	simm.s32 @!p2 $0x0;
	s15 =	simm.s32 @!p3 $0x0  }
0x29: {  	p2 =	sgt.s32 s17, $0xEA5F;
	s15 =	smul.u32 @!p1 s15, s16;
	s16 =	sadd.s32 $0x400, s13  }
0x2a: {  	s19 =	smov.u32 @p2 s16  }
0x2b: {  	s17 =	smov.u32 @p2 s3;
	p2 =	sgt.s32 s19, $0x3FF  }
0x2c: {  	s19 =	smov.u32 @p2 s2;
	p2 =	sne.s32 s14, s8  }
.Ltmp1:
0x2d: {  	p0 =	por !p0, !p0;
	s18 =	simm.s32 @!p1 $0x2;
	(pc) =	sbr.rel @!p2 .LBB1_6-.Ltmp1, $4  }
0x2e: {  	s16 =	smov.u32 s10;
	s10 =	smov.u32 s12;
	s15 =	sand.u32 @!p1 $0x3FFFFFFF, s15  }
0x2f: {  	s12 =	smov.u32 s17;
	_ =	swait.ge @!p1 [sflag:s18], s15;
	s20 =	ssub.s32 @!p1 $0x0, s15  }
0x30: {  	s15 =	smov.u32 s11;
	s14 =	sadd.s32 $0x1, s14;
	[sflag:s18] =	ssyncset.done @!p1 $0x0  }
0x31: {  	s11 =	smov.u32 s13;
	s13 =	smov.u32 s19;
	[sflag:s18] =	ssyncadd.s32 @!p1 s20  }
.LBB1_1:
0x32: {  	p1 =	sge.u32 s14, s6  }
0x33: {  	s17 =	sshrl.u32 @!p1 s13, $0x3  }
0x34: {  	s18 =	sshll.u32 @!p1 s12, $0x3;
	s17 =	smul.u32 @!p1 $0x75400, s17  }
0x35: {  	s19 =	sshll.u32 @!p1 s13, $0x7;
	s18 =	sand.u32 @!p1 $0xFFFFFC00, s18  }
0x36: {  	s17 =	sadd.s32 @!p1 s17, s18;
	s18 =	sand.u32 @!p1 $0x380, s19  }
0x37: {  	s19 =	sand.u32 @!p1 $0x7F, s12;
	s17 =	sor.u32 @!p1 s18, s17  }
0x38: {  	s18 =	sor.u32 @!p1 s19, s17  }
0x39: {  	s19 =	smulhi.u32 @!p1 $0x8BBC50C9, s18;
	_ =	sdelay $0x1  }
0x3a: {  	s17 =	smulhi.u32 @!p1 $0x8BBC50C9, s17;
	s19 =	sshrl.u32 @!p1 s19, $0xF  }
0x3b: {  	s19 =	smul.u32 @!p1 $0xEA80, s19  }
0x3c: {  	s31 =	sadd.s32 $0xFFFFFFFF, s14;
	s20 =	sxor.u32 @!p1 $0xFFFFFFFF, s14;
	s17 =	sshrl.u32 @!p1 s17, $0xF  }
0x3d: {  	s20 =	sshll.u32 @!p1 s20, $0xE;
	s17 =	sand.u32 @!p1 $0x3FF, s17;
	s18 =	ssub.s32 @!p1 s18, s19  }
0x3e: {  	s17 =	smul.u32 @!p1 $0x1D50, s17;
	s19 =	sshrl.u32 @!p1 s18, $0x3;
	s18 =	sand.u32 @!p1 $0x7, s18  }
0x3f: {  	s20 =	sand.u32 @!p1 $0x4000, s20;
	s19 =	sadd.s32 @!p1 s4, s19;
	s18 =	sshll.u32 @!p1 s18, $0x12  }
0x40: {  	s17 =	sadd.s32 @!p1 s17, s19;
	s18 =	sor.u32 @!p1 $0x400, s18;
	s19 =	simm.s32 @!p1 $0x75400  }
0x41: {  	[tilespmem:s20], [sflag:$0x1] =	stream.strided.gather @!p1 [hbm4b:s17+s18], $0x4000, s19, s18, $0x38;
	[tilespmem:$0x10100] =	vst v63  }
0x42: {  	p1 =	sge.u32 s31, s6  }
.Ltmp2:
0x43: {  	_ = 	snop;
	(pc) =	sbr.rel @p1 .LBB1_5-.Ltmp2, $1  }
0x44: {  	_ =	sdelay $0x3  }
0x45: {  	s17 =	simm.s32 $0x1  }
0x46: {  	_ =	swait.ge [sflag:s5], $0x4000;
	s17 =	simm.s32 @!p0 $0x0  }
0x47: {  	[sflag:s5] =	ssyncset.done $0x0;
	s18 =	sshll.u32 s17, $0xE  }
0x48: {  	[sflag:s5] =	ssyncadd.s32 $0xFFFFC000;
	s18 =	sor.u32 $0x40, s18  }
0x49: {  	s17 =	smul.u32 $0x10200, s17;
	v0 =	vld [tilespmem:s18+$0x30]  }
0x4a: {  	v1 =	vld [tilespmem:s18+$0xFFFFFFD0]  }
0x4b: {  	s17 =	sshrl.u32 s17, $0x2;
	v5 =	vld [tilespmem:s18+$0xFFFFFFE0]  }
0x4c: {  	v6 =	vld [tilespmem:s18+$0xFFFFFFF0];
	s20 =	sor.u32 $0x8000, s17  }
0x4d: {  	s31 =	sand.u32 $0x1, s14;
	v4 =	vld [tilespmem:s18+$0x0];
	s19 =	sadd.s32 $0x0, s20  }
0x4e: {  	v3 =	vld [tilespmem:s18+$0x10];
	s17 =	smul.u32 $0x10200, s31;
	[tilespmem:s19+$0x3870 ss:$0x81] =	vst.msk $0xffff, v0  }
0x4f: {  	v2 =	vld [tilespmem:s18+$0x20];
	[tilespmem:s19+$0x810 ss:$0x81] =	vst.msk $0xffff, v1  }
0x50: {  	s17 =	sshrl.u32 s17, $0x2;
	v1 =	vld [tilespmem:s18+$0xFFFFFFC0];
	[tilespmem:s19+$0x1020 ss:$0x81] =	vst.msk $0xffff, v5;
	s18 =	sadd.s32 $0x80, s18  }
0x51: {  	s21 =	simm.s32 $0x4;
	s22 =	simm.s32 $0x8;
	s17 =	sor.u32 $0x8000, s17;
	[tilespmem:s19+$0x1830 ss:$0x81] =	vst.msk $0xffff, v6;
	v0 =	vld [tilespmem:s18+$0x30]  }
.LBB1_3:
0x52: {  	p1 =	sne.s32 s22, $0x1FC;
	v5 =	vld [tilespmem:s18+$0xFFFFFFD0];
	[tilespmem:s19+$0x2040 ss:$0x81] =	vst.msk $0xffff, v4  }
0x53: {  	v6 =	vld [tilespmem:s18+$0xFFFFFFE0];
	[tilespmem:s19+$0x2850 ss:$0x81] =	vst.msk $0xffff, v3  }
0x54: {  	s23 =	sshra.s32 s21, $0x2;
	s21 =	smov.u32 s22;
	v7 =	vld [tilespmem:s18+$0xFFFFFFF0];
	[tilespmem:s19+$0x3060 ss:$0x81] =	vst.msk $0xffff, v2  }
.Ltmp3:
0x55: {  	v4 =	vld [tilespmem:s18+$0x0];
	[tilespmem:s19+$0x0 ss:$0x81] =	vst.msk $0xffff, v1;
	s19 =	sadd.s32 s23, s20;
	(pc) =	sbr.rel @p1 .LBB1_3-.Ltmp3, $4  }
0x56: {  	v3 =	vld [tilespmem:s18+$0x10];
	[tilespmem:s19+$0x3870 ss:$0x81] =	vst.msk $0xffff, v0  }
0x57: {  	[tilespmem:s19+$0x810 ss:$0x81] =	vst.msk $0xffff, v5;
	v2 =	vld [tilespmem:s18+$0x20]  }
0x58: {  	v1 =	vld [tilespmem:s18+$0xFFFFFFC0];
	[tilespmem:s19+$0x1020 ss:$0x81] =	vst.msk $0xffff, v6;
	s18 =	sadd.s32 $0x80, s18  }
0x59: {  	s22 =	sadd.s32 $0x4, s22;
	v0 =	vld [tilespmem:s18+$0x30];
	[tilespmem:s19+$0x1830 ss:$0x81] =	vst.msk $0xffff, v7  }
.Ltmp4:
0x5a: {  	_ = 	snop;
	(pc) =	sbr.rel .LBB1_4-.Ltmp4, $1  }
0x5b: {  	_ =	sdelay $0x3  }
.LBB1_6:
0x5c: {  	_ =	sfence.sel $0x180000  }
0x5d: {  	s2 =	simm.s32 $0x1;
	[bflag:$0x0] =	sbarrier.arrive $0xFFFF  }
0x5e: {  	s31 =	simm.s32 $0x2;
	[sflag:s2] =	ssyncpa.u1 $0x1  }
0x5f: {  	[sflag:s31] =	ssyncpa.u1 $0x1  }
0x60: {  	p0 =	sne.s32 s0, $0x0;
	_ =	strace $0x90000047  }
0x61: {  	s0 =	sadd.s32 @!p0 $0x100000, s1;
	[bflag:$0x2] =	sbarrier.arrive $0xFFFF  }
0x62: {  	[sflag:s0] =	ssyncadd.tile.s32 @!p0 $0x1;
	_ =	shalt  }
.Lfunc_end1:
_tile_overlayer_lowered:
.L_overlay_start_2:
0x63: {  	(tag) =	ssettag $0x2  }
0x64: {  	s0 =	rddreg [dreg:$0x0];
	s2 =	stileid.u32  }
0x65: {  	s1 =	rddreg [dreg:$0x1];
	p0 =	sne.s32 s2, $0x0  }
0x66: {  	s3 =	rddreg [dreg:$0x2];
	[bflag:$0x3] =	sbarrier.arrive $0xFFFF;
	s2 =	simm.s32 @!p0 $0x1C01  }
0x67: {  	[timem:s3], [sflag:s2] =	dma.local @!p0 [hbm:s0], s1  }
0x68: {  	s0 =	simm.s32 @!p0 $0x1  }
0x69: {  	_ =	swait.ge @!p0 [sflag:s0], s1  }
0x6a: {  	s1 =	ssub.s32 @!p0 $0x0, s1;
	[sflag:s0] =	ssyncset.done @!p0 $0x0  }
0x6b: {  	[sflag:s0] =	ssyncadd.s32 @!p0 s1  }
0x6c: {  	[bflag:$0x3] =	sbarrier.arrive $0xFFFF  }
0x6d: {  	_ =	shalt  }

// kernel: sparse-core-data-format-call.cloned.1.call-start
scs
called_computation_lowered:
.L_overlay_start_0:
0x0: {  	s1 =	sld [smem:$0x3FD9]  }
0x1: {  	s2 =	sld [smem:$0x3FFE];
	_ =	sdelay $0x1  }
0x2: {  	s3 =	srdreg.scid  }
0x3: {  	s0 =	sand.u32 $0x1, s3  }
0x4: {  	s17 =	sshll.u32 s0, $0xA;
	s1 =	sadd.s32 s2, s1  }
0x5: {  	s1 =	sadd.s32 s1, s17  }
0x6: {  	[smem:$0x3FC5] =	sst s1  }
0x7: {  	_ = 	snop  }
0x8: {  	(tm) =	ssettm $0x1  }
0x9: {  	s18 =	sld [smem:$0x3FFB];
	_ =	sdelay $0x3  }
0xa: {  	_ =	strace s18  }
0xb: {  	s1 =	sld [smem:$0x3FFC];
	_ =	sdelay $0x3  }
0xc: {  	_ =	strace s1  }
0xd: {  	s1 =	sld [smem:$0x3FFD];
	_ =	sdelay $0x3  }
0xe: {  	_ =	strace s1  }
0xf: {  	_ =	strace $0x8FFFFFFF  }
0x10: {  	s19 =	sld [smem:$0x3FDB];
	_ =	sdelay $0x1  }
0x11: {  	s20 =	simm.s32 $_scs_section_size  }
0x12: {  	s4 =	simm.s32 $_size__tile_overlayer_lowered;
	s5 =	simm.s32 $_tile_overlayer_lowered  }
0x13: {  	s23 =	simm.s32 $0x1BFF;
	s22 =	sshll.u32 s5, $0x1;
	s1 =	sadd.s32 s20, s19  }
0x14: {  	s6 =	simm.s32 $0x0;
	s21 =	sshll.u32 s4, $0x1;
	s4 =	sadd.s32 s22, s1  }
0x15: {  	[timem:s6], [sflag:s23] =	dma.local [hbm:s4], s21  }
0x16: {  	_ =	swait.ge [sflag:s23], s21  }
0x17: {  	s2 =	ssub.s32 $0x0, s21;
	[sflag:s23] =	ssyncset.done $0x0  }
0x18: {  	[sflag:s23] =	ssyncadd.s32 s2;
	_ =	sdelay $0x1  }
0x19: {  	s24 =	simm.s32 $0x1B8B  }
0x1a: {  	_ =	swait.ge [sflag:s24], $0x1  }
0x1b: {  	[sflag:s24] =	ssyncset.done $0x0  }
0x1c: {  	s26 =	simm.s32 $0x1B8E;
	s25 =	sld [smem:$0x3FFE];
	[sflag:s24] =	ssyncadd.s32 $0xFFFFFFFF  }
0x1d: {  	s27 =	simm.s32 $execute0_lowered;
	[smem:$0x3FD2] =	sst s26  }
0x1e: {  	s4 =	sshll.u32 s27, $0x1;
	_ =	strace $0x80000049;
	[dreg:$0x1] =	wrdreg $0xFFFFFFFF  }
0x1f: {  	s28 =	simm.s32 $_size_execute0_lowered;
	s1 =	sadd.s32 s1, s4;
	[dreg:$0x0] =	wrdreg $0x0  }
0x20: {  	s4 =	sshll.u32 s28, $0x1;
	[dreg:$0x2] =	wrdreg s1  }
0x21: {  	[dreg:$0x3] =	wrdreg s4  }
0x22: {  	[dreg:$0x4] =	wrdreg $0xC0  }
0x23: {  	_ =	task [dreg:s6], $0x5FFFF  }
0x24: {  	[dreg:$0x1] =	wrdreg $0xFFFFFFFF  }
0x25: {  	[dreg:$0x0] =	wrdreg $0x60  }
0x26: {  	[dreg:$0x2] =	wrdreg s25  }
0x27: {  	[dreg:$0x3] =	wrdreg $0x9  }
0x28: {  	_ =	task.clear_ibuf [dreg:s6], $0x4FFFF;
	_ =	strace $0x90000049  }
0x29: {  	s29 =	simm.s32 $0x9;
	_ =	strace $0x8000004B  }
0x2a: {  	_ =	swait.ge [sflag:s29], $0x1  }
0x2b: {  	[sflag:s29] =	ssyncadd.s32 $0xFFFFFFFF  }
0x2c: {  	_ =	strace $0x9000004B  }
0x2d: {  	_ =	sfence  }
0x2e: {  	s30 =	sld [smem:$0x0];
	_ =	sdelay $0x2  }
0x2f: {  	s31 =	sshll.u32 s3, $0xD;
	s3 =	sshrl.u32 s3, $0x2  }
0x30: {  	s2 =	sand.u32 $0x4000, s31;
	s1 =	sadd.s32 s3, s30  }
0x31: {  	s0 =	sor.u32 s2, s0;
	s1 =	sshll.u32 s1, $0x11  }
0x32: {  	s0 =	sor.u32 s1, s0  }
0x33: {  	s0 =	sadd.s32 $0x8F2B, s0  }
0x34: {  	[sflag:s0] =	ssyncadd.remote.s32 $0x1  }
0x35: {  	_ =	sfence.sel $0xFFFF  }
0x36: {  	[dreg:$0x0] =	wrdreg $0xFFFFFFFF;
	(pc) =	sbr.abs _section_cstart, $3  }
0x37: {  	[dreg:$0x1] =	wrdreg $0xFFFFFFFF  }
0x38: {  	_ =	task.clear_ibuf [dreg:s6], $0x2FFFF;
	_ =	strace $0x9FFFFFFF  }
0x39: {  	(tm) =	ssettm $0x7FFFFFFF  }
tec
execute0_lowered:
.L_overlay_start_1:
0x0: {  	(tag) =	ssettag $0x1  }
0x1: {  	s0 =	srdreg.scid  }
0x2: {  	s1 =	sshll.u32 s0, $0x4  }
0x3: {  	s4 =	rddreg [dreg:$0x0];
	s0 =	stileid.u32;
	s1 =	sand.u32 $0x10, s1  }
0x4: {  	s7 =	simm.s32 $0x1;
	s8 =	simm.s32 $0x2;
	s2 =	sor.u32 s0, s1  }
0x5: {  	s9 =	simm.s32 $0x0;
	s12 =	simm.s32 $0x0;
	s2 =	sshll.u32 s2, $0x1  }
0x6: {  	s11 =	simm.s32 $0x0;
	s3 =	sadd.s32 $0x754E00, s4;
	s6 =	ssub.s32 $0x1D4C, s2  }
.Ltmp0:
0x7: {  	s4 =	sadd.s32 $0xE00, s4;
	s5 =	sand.u32 $0x3E, s6;
	(pc) =	sbr.rel .LBB1_1-.Ltmp0, $4  }
0x8: {  	s1 =	rddreg [dreg:$0x1];
	_ =	strace $0x8000004A;
	p0 =	sne.s32 s5, $0x0  }
0x9: {  	s6 =	sshrl.u32 s6, $0x6;
	s5 =	simm.s32 $0x1;
	s7 =	simm.s32 @!p0 $0x0  }
0xa: {  	s10 =	smov.u32 s2;
	[sflag:s5] =	ssyncpa.u1 $0x0;
	s6 =	sadd.s32 s7, s6  }
0xb: {  	[sflag:s8] =	ssyncpa.u1 $0x0;
	s8 =	simm.s32 $0x0;
	s7 =	sadd.s32 $0x1, s6  }
.LBB1_9:
0xc: {  	s14 =	sadd.s32 $0x40, s10  }
0xd: {  	p1 =	sgt.s32 s14, $0x1D4B  }
0xe: {  	s14 =	smov.u32 @p1 s2;
	p1 =	sne.s32 s11, s7  }
.Ltmp1:
0xf: {  	p0 =	slt.u32 s11, $0x2;
	(pc) =	sbr.rel @!p1 .LBB1_10-.Ltmp1, $4  }
0x10: {  	s13 =	simm.s32 @!p0 $0x2  }
0x11: {  	s15 =	sadd.s32 $0x1, s11;
	_ =	swait.ge @!p0 [sflag:s13], $0x4000  }
0x12: {  	s12 =	smov.u32 s10;
	s9 =	sadd.s32 $0x4000, s9;
	[sflag:s13] =	ssyncset.done @!p0 $0x0  }
0x13: {  	s11 =	smov.u32 s15;
	s10 =	smov.u32 s14;
	[sflag:s13] =	ssyncadd.s32 @!p0 $0xFFFFC000  }
.LBB1_1:
0x14: {  	p0 =	sge.u32 s11, s6  }
0x15: {  	s13 =	sxor.u32 @!p0 $0xFFFFFFFF, s11  }
0x16: {  	s31 =	sadd.s32 $0xFFFFFFFF, s11;
	s14 =	sshll.u32 @!p0 s10, $0xA;
	s13 =	sshll.u32 @!p0 s13, $0xE  }
0x17: {  	s15 =	simm.s32 @!p0 $0x0;
	s14 =	sadd.s32 @!p0 s3, s14;
	s13 =	sand.u32 @!p0 $0x4000, s13  }
0x18: {  	[tilespmem:s13], [sflag:$0x1] =	stream.linear.gather @!p0 [hbm4b:s14+s15], $0x4000, $0x38;
	[tilespmem:$0x10000] =	vst v63  }
0x19: {  	p0 =	sge.u32 s31, s6  }
.Ltmp2:
0x1a: {  	_ = 	snop;
	(pc) =	sbr.rel @p0 .LBB1_9-.Ltmp2, $1  }
0x1b: {  	_ =	sdelay $0x3  }
0x1c: {  	s13 =	sshll.u32 s9, $0x2  }
0x1d: {  	_ =	swait.ge [sflag:s5], $0x4000;
	s14 =	sshll.u32 s11, $0xE;
	s16 =	simm.s32 $0x0  }
0x1e: {  	p1 =	por $0x1, $0x1;
	s13 =	sand.u32 $0x10000, s13;
	[sflag:s5] =	ssyncset.done $0x0  }
0x1f: {  	s14 =	sand.u32 $0x4000, s14;
	s15 =	sshrl.u32 s13, $0x2;
	[sflag:s5] =	ssyncadd.s32 $0xFFFFC000  }
0x20: {  	s13 =	sor.u32 $0x8000, s14;
	s14 =	sadd.s32 $0x8040, s15;
	s15 =	sadd.s32 $0x40, s15  }
.LBB1_3:
0x21: {  	s16 =	sshll.u32 s16, $0x2  }
0x22: {  	p0 =	por p1, p1;
	s17 =	sshra.s32 s16, $0x2  }
0x23: {  	s18 =	simm.s32 $0x0;
	s16 =	sadd.s32 s17, s14;
	s17 =	sadd.s32 s17, s15  }
.LBB1_4:
0x24: {  	v0 =	vmov s17;
	_ =	sdelay $0x3  }
0x25: {  	s20 =	simm.s32 $0x0  }
0x26: {  	v6 =	vld.idx.msk [tilespmem:v0+s20+$0x30 ss:$0x1], $0xffff  }
0x27: {  	v7 =	vld.idx.msk [tilespmem:v0+s20+$0xFFFFFFC0 ss:$0x1], $0xffff  }
0x28: {  	v5 =	vld.idx.msk [tilespmem:v0+s20+$0xFFFFFFD0 ss:$0x1], $0xffff  }
0x29: {  	v4 =	vld.idx.msk [tilespmem:v0+s20+$0xFFFFFFE0 ss:$0x1], $0xffff  }
0x2a: {  	v3 =	vld.idx.msk [tilespmem:v0+s20+$0xFFFFFFF0 ss:$0x1], $0xffff  }
0x2b: {  	v1 =	vld.idx.msk [tilespmem:v0+s20+$0x0 ss:$0x1], $0xffff  }
0x2c: {  	v2 =	vld.idx.msk [tilespmem:v0+s20+$0x10 ss:$0x1], $0xffff;
	[tilespmem:s16+$0x30] =	vst v6  }
0x2d: {  	s19 =	simm.s32 $0x80;
	s21 =	simm.s32 $0x400;
	[tilespmem:s16+$0xFFFFFFC0] =	vst v7;
	v6 =	vld.idx.msk [tilespmem:v0+s20+$0x20 ss:$0x1], $0xffff;
	s20 =	smov.u32 s16  }
.LBB1_5:
0x2e: {  	p1 =	sne.s32 s21, $0xE00;
	v7 =	vld.idx.msk [tilespmem:v0+s19+$0x30 ss:$0x1], $0xffff;
	[tilespmem:s20+$0xFFFFFFD0] =	vst v5  }
0x2f: {  	v8 =	vld.idx.msk [tilespmem:v0+s19+$0xFFFFFFC0 ss:$0x1], $0xffff;
	[tilespmem:s20+$0xFFFFFFE0] =	vst v4  }
0x30: {  	v5 =	vld.idx.msk [tilespmem:v0+s19+$0xFFFFFFD0 ss:$0x1], $0xffff;
	[tilespmem:s20+$0xFFFFFFF0] =	vst v3  }
.Ltmp3:
0x31: {  	v4 =	vld.idx.msk [tilespmem:v0+s19+$0xFFFFFFE0 ss:$0x1], $0xffff;
	[tilespmem:s20+$0x0] =	vst v1;
	(pc) =	sbr.rel @p1 .LBB1_5-.Ltmp3, $4  }
0x32: {  	v3 =	vld.idx.msk [tilespmem:v0+s19+$0xFFFFFFF0 ss:$0x1], $0xffff;
	[tilespmem:s20+$0x10] =	vst v2  }
0x33: {  	v1 =	vld.idx.msk [tilespmem:v0+s19+$0x0 ss:$0x1], $0xffff;
	[tilespmem:s20+$0x20] =	vst v6;
	s20 =	sadd.s32 $0x400, s20  }
0x34: {  	v2 =	vld.idx.msk [tilespmem:v0+s19+$0x10 ss:$0x1], $0xffff;
	[tilespmem:s20+$0x30] =	vst v7  }
0x35: {  	[tilespmem:s20+$0xFFFFFFC0] =	vst v8;
	v6 =	vld.idx.msk [tilespmem:v0+s19+$0x20 ss:$0x1], $0xffff;
	s19 =	sshra.s32 s21, $0x2;
	s21 =	sadd.s32 $0x200, s21  }
0x36: {  	_ =	sdelay $0x2  }
0x37: {  	[tilespmem:s20+$0xFFFFFFD0] =	vst v5  }
0x38: {  	v56 =	vld.idx.msk [tilespmem:v0+s19+$0x30 ss:$0x1], $0xffff;
	[tilespmem:s20+$0xFFFFFFE0] =	vst v4  }
0x39: {  	v57 =	vld.idx.msk [tilespmem:v0+s19+$0xFFFFFFC0 ss:$0x1], $0xffff;
	[tilespmem:s20+$0xFFFFFFF0] =	vst v3  }
0x3a: {  	v58 =	vld.idx.msk [tilespmem:v0+s19+$0xFFFFFFD0 ss:$0x1], $0xffff;
	[tilespmem:s20+$0x0] =	vst v1  }
0x3b: {  	v59 =	vld.idx.msk [tilespmem:v0+s19+$0xFFFFFFE0 ss:$0x1], $0xffff;
	[tilespmem:s20+$0x10] =	vst v2  }
0x3c: {  	v60 =	vld.idx.msk [tilespmem:v0+s19+$0xFFFFFFF0 ss:$0x1], $0xffff;
	s31 =	sadd.s32 $0x400, s20;
	[tilespmem:s20+$0x20] =	vst v6  }
0x3d: {  	v61 =	vld.idx.msk [tilespmem:v0+s19+$0x0 ss:$0x1], $0xffff;
	[tilespmem:s31+$0x30] =	vst v56  }
0x3e: {  	v62 =	vld.idx.msk [tilespmem:v0+s19+$0x10 ss:$0x1], $0xffff;
	s18 =	sadd.s32 $0x1, s18;
	[tilespmem:s31+$0xFFFFFFC0] =	vst v57  }
0x3f: {  	v63 =	vld.idx.msk [tilespmem:v0+s19+$0x20 ss:$0x1], $0xffff;
	p1 =	sne.s32 s18, $0x8;
	[tilespmem:s31+$0xFFFFFFD0] =	vst v58  }
.Ltmp4:
0x40: {  	[tilespmem:s31+$0xFFFFFFE0] =	vst v59;
	(pc) =	sbr.rel @p1 .LBB1_4-.Ltmp4, $4  }
0x41: {  	[tilespmem:s31+$0xFFFFFFF0] =	vst v60  }
0x42: {  	[tilespmem:s31+$0x0] =	vst v61  }
0x43: {  	[tilespmem:s31+$0x10] =	vst v62  }
0x44: {  	s16 =	sadd.s32 $0x80, s16;
	s17 =	sadd.s32 $0x400, s17;
	[tilespmem:s31+$0x20] =	vst v63  }
.Ltmp5:
0x45: {  	(pc) =	sbr.rel @p0 .LBB1_3-.Ltmp5, $2  }
0x46: {  	_ =	sdelay $0x2  }
0x47: {  	s16 =	simm.s32 $0x2000;
	p1 =	por $0x0, $0x0  }
.Ltmp6:
0x48: {  	(pc) =	sbr.rel .LBB1_9-.Ltmp6, $4  }
0x49: {  	_ = 	snop  }
0x4a: {  	s12 =	sshll.u32 s12, $0xA  }
0x4b: {  	s12 =	sadd.s32 s4, s12  }
0x4c: {  	[hbm4b:s12+s8] =	stream.linear.scatter [tilespmem:s13], [sflag:$0x2], $0x4000, $0x38;
	[tilespmem:$0x10000] =	vst v63  }
.LBB1_10:
0x4d: {  	_ =	sfence.sel $0x180000  }
0x4e: {  	s2 =	simm.s32 $0x1;
	[bflag:$0x0] =	sbarrier.arrive $0xFFFF  }
0x4f: {  	s31 =	simm.s32 $0x2;
	[sflag:s2] =	ssyncpa.u1 $0x1  }
0x50: {  	[sflag:s31] =	ssyncpa.u1 $0x1  }
0x51: {  	p0 =	sne.s32 s0, $0x0;
	_ =	strace $0x9000004A  }
0x52: {  	s0 =	sadd.s32 @!p0 $0x100000, s1;
	[bflag:$0x2] =	sbarrier.arrive $0xFFFF  }
0x53: {  	[sflag:s0] =	ssyncadd.tile.s32 @!p0 $0x1;
	_ =	shalt  }
.Lfunc_end1:
_tile_overlayer_lowered:
.L_overlay_start_2:
0x54: {  	(tag) =	ssettag $0x2  }
0x55: {  	s0 =	rddreg [dreg:$0x0];
	s2 =	stileid.u32  }
0x56: {  	s1 =	rddreg [dreg:$0x1];
	p0 =	sne.s32 s2, $0x0  }
0x57: {  	s3 =	rddreg [dreg:$0x2];
	[bflag:$0x3] =	sbarrier.arrive $0xFFFF;
	s2 =	simm.s32 @!p0 $0x1C01  }
0x58: {  	[timem:s3], [sflag:s2] =	dma.local @!p0 [hbm:s0], s1  }
0x59: {  	s0 =	simm.s32 @!p0 $0x1  }
0x5a: {  	_ =	swait.ge @!p0 [sflag:s0], s1  }
0x5b: {  	s1 =	ssub.s32 @!p0 $0x0, s1;
	[sflag:s0] =	ssyncset.done @!p0 $0x0  }
0x5c: {  	[sflag:s0] =	ssyncadd.s32 @!p0 s1  }
0x5d: {  	[bflag:$0x3] =	sbarrier.arrive $0xFFFF  }
0x5e: {  	_ =	shalt  }

</sc_bundles>
